<compile_context>
chip_gen: v7x
topology: tpu7x:2x2x1
jax: 0.10.2.dev20260603
libtpu: 0.0.44.dev20260713+nightly
codegen_flags: <defaults>
</compile_context>

<pallas_src>
import jax
import jax.numpy as jnp
from jax import lax
from jax.experimental import pallas as pl
from jax.experimental.pallas import tpu as pltpu
from jax.experimental.pallas import tpu_sc as plsc

B = 16384
USER_D = 32
TS_D = 32
STYLE_D = 8
L_TAGS = 10
N_BUCKETS = 1000
STYLE_ROWS = 128
OUT_D = 73
NC = 2
NS = 16
LANES = 16
NW = NC * NS
ROWS = B // NW
GROUPS = ROWS // LANES
CHUNK = 128
NCHUNKS = ROWS // CHUNK
SEARCH_ITERS = 10
NS_W = 1 + STYLE_D
NS_PAD = 8


def _tec_body(uid_hbm, ts_hbm, tags_hbm, utab_hbm, ttab_hbm, style_hbm,
              buckets_hbm, norm_hbm, out_hbm,
              uid_v, ts_v, tags_v, bidx_v, style_v, buckets_v, norm_v,
              ns_v, stage0, stage1, chunk_v, sem_g, sem_out):
    wid = lax.axis_index("s") * NC + lax.axis_index("c")
    base = wid * ROWS

    pltpu.sync_copy(uid_hbm.at[pl.ds(base, ROWS)], uid_v)
    pltpu.sync_copy(ts_hbm.at[pl.ds(base, ROWS)], ts_v)
    pltpu.sync_copy(tags_hbm.at[pl.ds(base * L_TAGS, ROWS * L_TAGS)], tags_v)
    pltpu.sync_copy(style_hbm, style_v)
    pltpu.sync_copy(buckets_hbm, buckets_v)
    pltpu.sync_copy(norm_hbm, norm_v)

    mean = norm_v[pl.ds(0, LANES)]
    std = norm_v[pl.ds(LANES, LANES)]

    def group(g, carry):
        r0 = g * LANES
        t_vec = ts_v[pl.ds(r0, LANES)]

        lo = jnp.zeros((LANES,), jnp.int32)
        cnt = jnp.full((LANES,), N_BUCKETS, jnp.int32)
        for _ in range(SEARCH_ITERS):
            half = lax.shift_right_logical(cnt, 1)
            mid = lo + half
            bv = plsc.load_gather(buckets_v, [jnp.minimum(mid, N_BUCKETS - 1)])
            pred = jnp.logical_and(bv < t_vec, cnt > 0)
            lo = jnp.where(pred, mid + 1, lo)
            cnt = jnp.where(pred, cnt - half - 1, half)
        bidx_v[pl.ds(r0, LANES)] = lo

        row = r0 + lax.iota(jnp.int32, LANES)
        strip = row * NS_W + NS_PAD

        n_vec = (t_vec - mean) / std
        plsc.store_scatter(ns_v, [strip], n_vec)

        tag_base = row * L_TAGS
        acc = [jnp.zeros((LANES,), jnp.float32) for _ in range(STYLE_D)]
        for j in range(L_TAGS):
            tag = plsc.load_gather(tags_v, [tag_base + j]) * STYLE_D
            for d in range(STYLE_D):
                acc[d] = acc[d] + plsc.load_gather(style_v, [tag + d])
        inv = jnp.full((LANES,), 1.0 / L_TAGS, jnp.float32)
        for d in range(STYLE_D):
            plsc.store_scatter(ns_v, [strip + (1 + d)], acc[d] * inv)
        return carry

    lax.fori_loop(0, GROUPS, group, 0)

    phases = [(utab_hbm, uid_v, j, False) for j in range(NCHUNKS)]
    phases += [(ttab_hbm, bidx_v, j, True) for j in range(NCHUNKS)]
    stages = (stage0, stage1)
    tail_mask = lax.iota(jnp.int32, LANES) < (2 * USER_D - 57)
    rot_idx = (lax.iota(jnp.int32, LANES) + 9) & (LANES - 1)

    def fire(p):
        tab, idx, j, _ = phases[p]
        return pltpu.async_copy(
            tab.at[idx.at[pl.ds(j * CHUNK, CHUNK)]], stages[p % 2], sem_g)

    desc = fire(0)
    for p in range(len(phases)):
        desc.wait()
        if p + 1 < len(phases):
            desc = fire(p + 1)
        _, _, j, is_t = phases[p]
        stage = stages[p % 2]
        band = USER_D if is_t else 0

        def extract(r, carry):
            row = j * CHUNK + r
            chunk_v[row, pl.ds(band, LANES)] = stage[r, pl.ds(0, LANES)]
            hi = stage[r, pl.ds(LANES, LANES)]
            chunk_v[row, pl.ds(band + LANES, LANES)] = hi
            if is_t:
                t_rot = hi.at[rot_idx].get(mode="promise_in_bounds")
                ns = ns_v[pl.ds(row * NS_W + 1, LANES)]
                chunk_v[row, pl.ds(57, LANES)] = jnp.where(tail_mask, t_rot, ns)
            return carry

        lax.fori_loop(0, CHUNK, extract, 0)

    pltpu.async_copy(chunk_v, out_hbm.at[pl.ds(base, ROWS)], sem_out).wait()


def _sc_call(user_id, timestamp, tags_flat, user_table, ts_table, style_flat,
             buckets, norm):
    mesh = plsc.VectorSubcoreMesh(core_axis_name="c", subcore_axis_name="s")
    return pl.kernel(
        _tec_body,
        out_type=jax.ShapeDtypeStruct((B, OUT_D), jnp.float32),
        mesh=mesh,
        compiler_params=pltpu.CompilerParams(
            needs_layout_passes=False, use_tc_tiling_on_sc=False),
        scratch_types=[
            pltpu.VMEM((ROWS,), jnp.int32),
            pltpu.VMEM((ROWS,), jnp.float32),
            pltpu.VMEM((ROWS * L_TAGS,), jnp.int32),
            pltpu.VMEM((ROWS,), jnp.int32),
            pltpu.VMEM((STYLE_ROWS * STYLE_D,), jnp.float32),
            pltpu.VMEM((N_BUCKETS,), jnp.float32),
            pltpu.VMEM((2 * LANES,), jnp.float32),
            pltpu.VMEM((ROWS * NS_W + 2 * NS_PAD,), jnp.float32),
            pltpu.VMEM((CHUNK, USER_D), jnp.float32),
            pltpu.VMEM((CHUNK, USER_D), jnp.float32),
            pltpu.VMEM((ROWS, OUT_D), jnp.float32),
            pltpu.SemaphoreType.DMA,
            pltpu.SemaphoreType.DMA,
        ],
    )(user_id, timestamp, tags_flat, user_table, ts_table, style_flat,
      buckets, norm)


def kernel(user_id, timestamp, user_style_tags, user_table, ts_table,
           style_table, buckets, ts_mean, ts_std):
    style_flat = style_table[:STYLE_ROWS].reshape(-1)
    norm = jnp.concatenate([
        jnp.full((LANES,), ts_mean, jnp.float32),
        jnp.full((LANES,), ts_std, jnp.float32),
    ])
    return _sc_call(user_id, timestamp, user_style_tags.reshape(-1),
                    user_table, ts_table, style_flat, buckets, norm)

# --- scband reference (transcript-rebuilt; emitter-appended) ---
"""Pipeline reference for scband-user-model-19370302505761 (READ-ONLY COPY).

The authoritative reference and input builder live on the scoring server;
editing this copy changes nothing except your own understanding.
"""

import jax, jax.numpy as jnp
import numpy as np

B = 16384
USER_VOCAB = 1000001   # len(unique_user_ids) + 1
USER_D = 32
N_BUCKETS = 1000
TS_D = 32
STYLE_VOCAB = 10000    # max_tokens in Embedding
STYLE_TOK_MAX = 100    # TextVectorization max_tokens
STYLE_D = 8
L_TAGS = 10


def setup_inputs(seed: int = 0) -> dict:
    key = jax.random.key(seed)
    ks = jax.random.split(key, 9)
    user_id = jax.random.randint(ks[0], (B,), 0, USER_VOCAB, dtype=jnp.int32)
    timestamp = jax.random.uniform(ks[1], (B,), minval=0.0, maxval=1.0e9, dtype=jnp.float32)
    user_style_tags = jax.random.randint(ks[2], (B, L_TAGS), 0, STYLE_TOK_MAX, dtype=jnp.int32)
    user_table = jax.random.normal(ks[3], (USER_VOCAB, USER_D), dtype=jnp.float32) * 0.05
    ts_table = jax.random.normal(ks[4], (N_BUCKETS + 1, TS_D), dtype=jnp.float32) * 0.05
    style_table = jax.random.normal(ks[5], (STYLE_VOCAB, STYLE_D), dtype=jnp.float32) * 0.05
    buckets = jnp.sort(jax.random.uniform(ks[6], (N_BUCKETS,), minval=0.0, maxval=1.0e9, dtype=jnp.float32))
    ts_mean = jnp.array(5.0e8, dtype=jnp.float32)
    ts_std = jnp.array(2.9e8, dtype=jnp.float32)
    return {
        "user_id": user_id,
        "timestamp": timestamp,
        "user_style_tags": user_style_tags,
        "user_table": user_table,
        "ts_table": ts_table,
        "style_table": style_table,
        "buckets": buckets,
        "ts_mean": ts_mean,
        "ts_std": ts_std,
    }


def reference(user_id, timestamp, user_style_tags, user_table, ts_table, style_table, buckets, ts_mean, ts_std):
    # user_embedding: StringLookup (pre-resolved to int ids) -> Embedding
    u = jnp.take(user_table, user_id, axis=0)                      # [B, 32]
    # timestamp_embedding: Discretization -> Embedding
    bucket_idx = jnp.searchsorted(buckets, timestamp)              # [B]
    t = jnp.take(ts_table, bucket_idx, axis=0)                     # [B, 32]
    # normalized_timestamp: Normalization(axis=None)
    n = ((timestamp - ts_mean) / ts_std).reshape(-1, 1)            # [B, 1]
    # style_tag_embedding: TextVectorization (pre-tokenized) -> Embedding -> GlobalAveragePooling1D
    s = jnp.mean(jnp.take(style_table, user_style_tags, axis=0), axis=1)  # [B, 8]
    return jnp.concatenate([u, t, n, s], axis=1)                   # [B, 73]

if __name__ == "__main__":
    import jax
    _d = setup_inputs()
    print(jax.jit(kernel)(*tuple(_d.values())))

</pallas_src>

<mosaic_0001>
#map = affine_map<(d0, d1) -> (0)>
#map1 = affine_map<(d0, d1) -> (0, 0)>
module attributes {stable_mosaic.version = 14 : i64} {
  func.func @_tec_body(%arg0: i32, %arg1: i32, %arg2: memref<16384xi32, #tpu.memory_space<hbm>>, %arg3: memref<16384xf32, #tpu.memory_space<hbm>>, %arg4: memref<163840xi32, #tpu.memory_space<hbm>>, %arg5: memref<1000001x32xf32, #tpu.memory_space<hbm>>, %arg6: memref<1001x32xf32, #tpu.memory_space<hbm>>, %arg7: memref<1024xf32, #tpu.memory_space<hbm>>, %arg8: memref<1000xf32, #tpu.memory_space<hbm>>, %arg9: memref<32xf32, #tpu.memory_space<hbm>>, %arg10: memref<16384x73xf32, #tpu.memory_space<hbm>>, %arg11: memref<512xi32, #tpu.memory_space<vmem>>, %arg12: memref<512xf32, #tpu.memory_space<vmem>>, %arg13: memref<5120xi32, #tpu.memory_space<vmem>>, %arg14: memref<512xi32, #tpu.memory_space<vmem>>, %arg15: memref<1024xf32, #tpu.memory_space<vmem>>, %arg16: memref<1000xf32, #tpu.memory_space<vmem>>, %arg17: memref<32xf32, #tpu.memory_space<vmem>>, %arg18: memref<4624xf32, #tpu.memory_space<vmem>>, %arg19: memref<128x32xf32, #tpu.memory_space<vmem>>, %arg20: memref<128x32xf32, #tpu.memory_space<vmem>>, %arg21: memref<512x73xf32, #tpu.memory_space<vmem>>, %arg22: memref<!tpu.dma_semaphore, #tpu.memory_space<semaphore_mem>>, %arg23: memref<!tpu.dma_semaphore, #tpu.memory_space<semaphore_mem>>) attributes {dimension_semantics = [#tpu.dimension_semantics<core_parallel>, #tpu.dimension_semantics<subcore_parallel>], iteration_bounds = array<i64: 2, 16>, scalar_prefetch = 0 : i64, scratch_operands = 13 : i64, tpu.core_type = #tpu.core_type<sc_vector_subcore>, window_params = [{transform_indices = #map}, {transform_indices = #map}, {transform_indices = #map}, {transform_indices = #map1}, {transform_indices = #map1}, {transform_indices = #map}, {transform_indices = #map}, {transform_indices = #map}, {transform_indices = #map1}]} {
    %mul3A = arith.constant 2 : i32
    %mul3A_0 = arith.muli %arg1, %mul3A : i32
    %add3A = arith.addi %mul3A_0, %arg0 : i32
    %mul3A_1 = arith.constant 512 : i32
    %mul3A_2 = arith.muli %add3A, %mul3A_1 : i32
    "tpu.region"() ({
      %run_scoped3A = tpu.sem_alloc : memref<!tpu.dma_semaphore, #tpu.memory_space<semaphore_mem>>
      %dma_start3A_155 = tpu.memref_slice %arg2[%mul3A_2] : memref<16384xi32, #tpu.memory_space<hbm>> -> memref<512xi32, #tpu.memory_space<hbm>>
      %dma_start3A_156 = tpu.memref_slice %arg2[%mul3A_2] : memref<16384xi32, #tpu.memory_space<hbm>> -> memref<512xi32, #tpu.memory_space<hbm>>
      tpu.enqueue_dma source(%dma_start3A_156 : memref<512xi32, #tpu.memory_space<hbm>>) target(%arg11 : memref<512xi32, #tpu.memory_space<vmem>>) target_semaphore(%run_scoped3A : memref<!tpu.dma_semaphore, #tpu.memory_space<semaphore_mem>>)
      %dma_wait3A_157 = tpu.memref_slice %arg2[%mul3A_2] : memref<16384xi32, #tpu.memory_space<hbm>> -> memref<512xi32, #tpu.memory_space<hbm>>
      %dma_wait3A_158 = tpu.memref_slice %arg2[%mul3A_2] : memref<16384xi32, #tpu.memory_space<hbm>> -> memref<512xi32, #tpu.memory_space<hbm>>
      tpu.wait_dma2 semaphore(%run_scoped3A : memref<!tpu.dma_semaphore, #tpu.memory_space<semaphore_mem>>) src(%dma_wait3A_158 : memref<512xi32, #tpu.memory_space<hbm>>) dst(%arg11 : memref<512xi32, #tpu.memory_space<vmem>>)
      tpu.yield
    }) : () -> ()
    "tpu.region"() ({
      %run_scoped3A = tpu.sem_alloc : memref<!tpu.dma_semaphore, #tpu.memory_space<semaphore_mem>>
      %dma_start3A_155 = tpu.memref_slice %arg3[%mul3A_2] : memref<16384xf32, #tpu.memory_space<hbm>> -> memref<512xf32, #tpu.memory_space<hbm>>
      %dma_start3A_156 = tpu.memref_slice %arg3[%mul3A_2] : memref<16384xf32, #tpu.memory_space<hbm>> -> memref<512xf32, #tpu.memory_space<hbm>>
      tpu.enqueue_dma source(%dma_start3A_156 : memref<512xf32, #tpu.memory_space<hbm>>) target(%arg12 : memref<512xf32, #tpu.memory_space<vmem>>) target_semaphore(%run_scoped3A : memref<!tpu.dma_semaphore, #tpu.memory_space<semaphore_mem>>)
      %dma_wait3A_157 = tpu.memref_slice %arg3[%mul3A_2] : memref<16384xf32, #tpu.memory_space<hbm>> -> memref<512xf32, #tpu.memory_space<hbm>>
      %dma_wait3A_158 = tpu.memref_slice %arg3[%mul3A_2] : memref<16384xf32, #tpu.memory_space<hbm>> -> memref<512xf32, #tpu.memory_space<hbm>>
      tpu.wait_dma2 semaphore(%run_scoped3A : memref<!tpu.dma_semaphore, #tpu.memory_space<semaphore_mem>>) src(%dma_wait3A_158 : memref<512xf32, #tpu.memory_space<hbm>>) dst(%arg12 : memref<512xf32, #tpu.memory_space<vmem>>)
      tpu.yield
    }) : () -> ()
    %mul3A_3 = arith.constant 10 : i32
    %mul3A_4 = arith.muli %mul3A_2, %mul3A_3 : i32
    "tpu.region"() ({
      %run_scoped3A = tpu.sem_alloc : memref<!tpu.dma_semaphore, #tpu.memory_space<semaphore_mem>>
      %dma_start3A_155 = tpu.memref_slice %arg4[%mul3A_4] : memref<163840xi32, #tpu.memory_space<hbm>> -> memref<5120xi32, #tpu.memory_space<hbm>>
      %dma_start3A_156 = tpu.memref_slice %arg4[%mul3A_4] : memref<163840xi32, #tpu.memory_space<hbm>> -> memref<5120xi32, #tpu.memory_space<hbm>>
      tpu.enqueue_dma source(%dma_start3A_156 : memref<5120xi32, #tpu.memory_space<hbm>>) target(%arg13 : memref<5120xi32, #tpu.memory_space<vmem>>) target_semaphore(%run_scoped3A : memref<!tpu.dma_semaphore, #tpu.memory_space<semaphore_mem>>)
      %dma_wait3A_157 = tpu.memref_slice %arg4[%mul3A_4] : memref<163840xi32, #tpu.memory_space<hbm>> -> memref<5120xi32, #tpu.memory_space<hbm>>
      %dma_wait3A_158 = tpu.memref_slice %arg4[%mul3A_4] : memref<163840xi32, #tpu.memory_space<hbm>> -> memref<5120xi32, #tpu.memory_space<hbm>>
      tpu.wait_dma2 semaphore(%run_scoped3A : memref<!tpu.dma_semaphore, #tpu.memory_space<semaphore_mem>>) src(%dma_wait3A_158 : memref<5120xi32, #tpu.memory_space<hbm>>) dst(%arg13 : memref<5120xi32, #tpu.memory_space<vmem>>)
      tpu.yield
    }) : () -> ()
    "tpu.region"() ({
      %run_scoped3A = tpu.sem_alloc : memref<!tpu.dma_semaphore, #tpu.memory_space<semaphore_mem>>
      tpu.enqueue_dma source(%arg7 : memref<1024xf32, #tpu.memory_space<hbm>>) target(%arg15 : memref<1024xf32, #tpu.memory_space<vmem>>) target_semaphore(%run_scoped3A : memref<!tpu.dma_semaphore, #tpu.memory_space<semaphore_mem>>)
      tpu.wait_dma2 semaphore(%run_scoped3A : memref<!tpu.dma_semaphore, #tpu.memory_space<semaphore_mem>>) src(%arg7 : memref<1024xf32, #tpu.memory_space<hbm>>) dst(%arg15 : memref<1024xf32, #tpu.memory_space<vmem>>)
      tpu.yield
    }) : () -> ()
    "tpu.region"() ({
      %run_scoped3A = tpu.sem_alloc : memref<!tpu.dma_semaphore, #tpu.memory_space<semaphore_mem>>
      tpu.enqueue_dma source(%arg8 : memref<1000xf32, #tpu.memory_space<hbm>>) target(%arg16 : memref<1000xf32, #tpu.memory_space<vmem>>) target_semaphore(%run_scoped3A : memref<!tpu.dma_semaphore, #tpu.memory_space<semaphore_mem>>)
      tpu.wait_dma2 semaphore(%run_scoped3A : memref<!tpu.dma_semaphore, #tpu.memory_space<semaphore_mem>>) src(%arg8 : memref<1000xf32, #tpu.memory_space<hbm>>) dst(%arg16 : memref<1000xf32, #tpu.memory_space<vmem>>)
      tpu.yield
    }) : () -> ()
    "tpu.region"() ({
      %run_scoped3A = tpu.sem_alloc : memref<!tpu.dma_semaphore, #tpu.memory_space<semaphore_mem>>
      tpu.enqueue_dma source(%arg9 : memref<32xf32, #tpu.memory_space<hbm>>) target(%arg17 : memref<32xf32, #tpu.memory_space<vmem>>) target_semaphore(%run_scoped3A : memref<!tpu.dma_semaphore, #tpu.memory_space<semaphore_mem>>)
      tpu.wait_dma2 semaphore(%run_scoped3A : memref<!tpu.dma_semaphore, #tpu.memory_space<semaphore_mem>>) src(%arg9 : memref<32xf32, #tpu.memory_space<hbm>>) dst(%arg17 : memref<32xf32, #tpu.memory_space<vmem>>)
      tpu.yield
    }) : () -> ()
    %get3A = arith.constant 0 : index
    %get3A_5 = tpu.vector_load %arg17[%get3A] {strides = array<i32>} : memref<32xf32, #tpu.memory_space<vmem>>, vector<16xf32>,
    %get3A_6 = arith.constant 16 : index
    %get3A_7 = tpu.vector_load %arg17[%get3A_6] {strides = array<i32>} : memref<32xf32, #tpu.memory_space<vmem>>, vector<16xf32>,
    %scan3A = arith.constant 0 : i32
    %scan3A_8 = arith.constant 0 : i32
    %scan3A_9 = arith.constant 32 : i32
    %scan3A_10 = arith.addi %scan3A_8, %scan3A_9 : i32
    %scan3A_11 = arith.constant 1 : i32
    scf.for %scan3A_155 = %scan3A_8 to %scan3A_10 step %scan3A_11  : i32 {
      %mul3A_156 = arith.constant 16 : i32
      %mul3A_157 = arith.muli %scan3A_155, %mul3A_156 : i32
      %get3A_158 = arith.index_cast %mul3A_157 : i32 to index
      %get3A_159 = tpu.vector_load %arg12[%get3A_158] {strides = array<i32>} : memref<512xf32, #tpu.memory_space<vmem>>, vector<16xf32>,
      %broadcast_in_dim3A = arith.constant 0 : i32
      %broadcast_in_dim3A_160 = vector.broadcast %broadcast_in_dim3A : i32 to vector<16xi32>
      %broadcast_in_dim3A_161 = arith.constant 1000 : i32
      %broadcast_in_dim3A_162 = vector.broadcast %broadcast_in_dim3A_161 : i32 to vector<16xi32>
      %shift_right_logical3A = arith.constant 1 : i32
      %shift_right_logical3A_163 = vector.broadcast %shift_right_logical3A : i32 to vector<16xi32>
      %shift_right_logical3A_164 = arith.shrui %broadcast_in_dim3A_162, %shift_right_logical3A_163 : vector<16xi32>
      %add3A_165 = arith.addi %broadcast_in_dim3A_160, %shift_right_logical3A_164 : vector<16xi32>
      %min3A = arith.constant 999 : i32
      %min3A_166 = vector.broadcast %min3A : i32 to vector<16xi32>
      %min3A_167 = arith.minsi %add3A_165, %min3A_166 : vector<16xi32>
      %gather3A = tpu.vector_load_idx %arg16[%min3A_167] : memref<1000xf32, #tpu.memory_space<vmem>>[vector<16xi32>], vector<16xf32>,
      %lt3A_168 = arith.cmpf olt, %gather3A, %get3A_159 : vector<16xf32>
      %gt3A = arith.constant 0 : i32
      %gt3A_169 = vector.broadcast %gt3A : i32 to vector<16xi32>
      %gt3A_170 = arith.cmpi sgt, %broadcast_in_dim3A_162, %gt3A_169 : vector<16xi32>
      %and3A_171 = arith.andi %lt3A_168, %gt3A_170 : vector<16xi1>
      %add3A_172 = arith.constant 1 : i32
      %add3A_173 = vector.broadcast %add3A_172 : i32 to vector<16xi32>
      %add3A_174 = arith.addi %add3A_165, %add3A_173 : vector<16xi32>
      %select_n3A = arith.select %and3A_171, %add3A_174, %broadcast_in_dim3A_160 : vector<16xi1>, vector<16xi32>
      %sub3A = arith.subi %broadcast_in_dim3A_162, %shift_right_logical3A_164 : vector<16xi32>
      %sub3A_175 = arith.constant 1 : i32
      %sub3A_176 = vector.broadcast %sub3A_175 : i32 to vector<16xi32>
      %sub3A_177 = arith.subi %sub3A, %sub3A_176 : vector<16xi32>
      %select_n3A_178 = arith.select %and3A_171, %sub3A_177, %shift_right_logical3A_164 : vector<16xi1>, vector<16xi32>
      %shift_right_logical3A_179 = arith.constant 1 : i32
      %shift_right_logical3A_180 = vector.broadcast %shift_right_logical3A_179 : i32 to vector<16xi32>
      %shift_right_logical3A_181 = arith.shrui %select_n3A_178, %shift_right_logical3A_180 : vector<16xi32>
      %add3A_182 = arith.addi %select_n3A, %shift_right_logical3A_181 : vector<16xi32>
      %min3A_183 = arith.constant 999 : i32
      %min3A_184 = vector.broadcast %min3A_183 : i32 to vector<16xi32>
      %min3A_185 = arith.minsi %add3A_182, %min3A_184 : vector<16xi32>
      %gather3A_186 = tpu.vector_load_idx %arg16[%min3A_185] : memref<1000xf32, #tpu.memory_space<vmem>>[vector<16xi32>], vector<16xf32>,
      %lt3A_187 = arith.cmpf olt, %gather3A_186, %get3A_159 : vector<16xf32>
      %gt3A_188 = arith.constant 0 : i32
      %gt3A_189 = vector.broadcast %gt3A_188 : i32 to vector<16xi32>
      %gt3A_190 = arith.cmpi sgt, %select_n3A_178, %gt3A_189 : vector<16xi32>
      %and3A_191 = arith.andi %lt3A_187, %gt3A_190 : vector<16xi1>
      %add3A_192 = arith.constant 1 : i32
      %add3A_193 = vector.broadcast %add3A_192 : i32 to vector<16xi32>
      %add3A_194 = arith.addi %add3A_182, %add3A_193 : vector<16xi32>
      %select_n3A_195 = arith.select %and3A_191, %add3A_194, %select_n3A : vector<16xi1>, vector<16xi32>
      %sub3A_196 = arith.subi %select_n3A_178, %shift_right_logical3A_181 : vector<16xi32>
      %sub3A_197 = arith.constant 1 : i32
      %sub3A_198 = vector.broadcast %sub3A_197 : i32 to vector<16xi32>
      %sub3A_199 = arith.subi %sub3A_196, %sub3A_198 : vector<16xi32>
      %select_n3A_200 = arith.select %and3A_191, %sub3A_199, %shift_right_logical3A_181 : vector<16xi1>, vector<16xi32>
      %shift_right_logical3A_201 = arith.constant 1 : i32
      %shift_right_logical3A_202 = vector.broadcast %shift_right_logical3A_201 : i32 to vector<16xi32>
      %shift_right_logical3A_203 = arith.shrui %select_n3A_200, %shift_right_logical3A_202 : vector<16xi32>
      %add3A_204 = arith.addi %select_n3A_195, %shift_right_logical3A_203 : vector<16xi32>
      %min3A_205 = arith.constant 999 : i32
      %min3A_206 = vector.broadcast %min3A_205 : i32 to vector<16xi32>
      %min3A_207 = arith.minsi %add3A_204, %min3A_206 : vector<16xi32>
      %gather3A_208 = tpu.vector_load_idx %arg16[%min3A_207] : memref<1000xf32, #tpu.memory_space<vmem>>[vector<16xi32>], vector<16xf32>,
      %lt3A_209 = arith.cmpf olt, %gather3A_208, %get3A_159 : vector<16xf32>
      %gt3A_210 = arith.constant 0 : i32
      %gt3A_211 = vector.broadcast %gt3A_210 : i32 to vector<16xi32>
      %gt3A_212 = arith.cmpi sgt, %select_n3A_200, %gt3A_211 : vector<16xi32>
      %and3A_213 = arith.andi %lt3A_209, %gt3A_212 : vector<16xi1>
      %add3A_214 = arith.constant 1 : i32
      %add3A_215 = vector.broadcast %add3A_214 : i32 to vector<16xi32>
      %add3A_216 = arith.addi %add3A_204, %add3A_215 : vector<16xi32>
      %select_n3A_217 = arith.select %and3A_213, %add3A_216, %select_n3A_195 : vector<16xi1>, vector<16xi32>
      %sub3A_218 = arith.subi %select_n3A_200, %shift_right_logical3A_203 : vector<16xi32>
      %sub3A_219 = arith.constant 1 : i32
      %sub3A_220 = vector.broadcast %sub3A_219 : i32 to vector<16xi32>
      %sub3A_221 = arith.subi %sub3A_218, %sub3A_220 : vector<16xi32>
      %select_n3A_222 = arith.select %and3A_213, %sub3A_221, %shift_right_logical3A_203 : vector<16xi1>, vector<16xi32>
      %shift_right_logical3A_223 = arith.constant 1 : i32
      %shift_right_logical3A_224 = vector.broadcast %shift_right_logical3A_223 : i32 to vector<16xi32>
      %shift_right_logical3A_225 = arith.shrui %select_n3A_222, %shift_right_logical3A_224 : vector<16xi32>
      %add3A_226 = arith.addi %select_n3A_217, %shift_right_logical3A_225 : vector<16xi32>
      %min3A_227 = arith.constant 999 : i32
      %min3A_228 = vector.broadcast %min3A_227 : i32 to vector<16xi32>
      %min3A_229 = arith.minsi %add3A_226, %min3A_228 : vector<16xi32>
      %gather3A_230 = tpu.vector_load_idx %arg16[%min3A_229] : memref<1000xf32, #tpu.memory_space<vmem>>[vector<16xi32>], vector<16xf32>,
      %lt3A_231 = arith.cmpf olt, %gather3A_230, %get3A_159 : vector<16xf32>
      %gt3A_232 = arith.constant 0 : i32
      %gt3A_233 = vector.broadcast %gt3A_232 : i32 to vector<16xi32>
      %gt3A_234 = arith.cmpi sgt, %select_n3A_222, %gt3A_233 : vector<16xi32>
      %and3A_235 = arith.andi %lt3A_231, %gt3A_234 : vector<16xi1>
      %add3A_236 = arith.constant 1 : i32
      %add3A_237 = vector.broadcast %add3A_236 : i32 to vector<16xi32>
      %add3A_238 = arith.addi %add3A_226, %add3A_237 : vector<16xi32>
      %select_n3A_239 = arith.select %and3A_235, %add3A_238, %select_n3A_217 : vector<16xi1>, vector<16xi32>
      %sub3A_240 = arith.subi %select_n3A_222, %shift_right_logical3A_225 : vector<16xi32>
      %sub3A_241 = arith.constant 1 : i32
      %sub3A_242 = vector.broadcast %sub3A_241 : i32 to vector<16xi32>
      %sub3A_243 = arith.subi %sub3A_240, %sub3A_242 : vector<16xi32>
      %select_n3A_244 = arith.select %and3A_235, %sub3A_243, %shift_right_logical3A_225 : vector<16xi1>, vector<16xi32>
      %shift_right_logical3A_245 = arith.constant 1 : i32
      %shift_right_logical3A_246 = vector.broadcast %shift_right_logical3A_245 : i32 to vector<16xi32>
      %shift_right_logical3A_247 = arith.shrui %select_n3A_244, %shift_right_logical3A_246 : vector<16xi32>
      %add3A_248 = arith.addi %select_n3A_239, %shift_right_logical3A_247 : vector<16xi32>
      %min3A_249 = arith.constant 999 : i32
      %min3A_250 = vector.broadcast %min3A_249 : i32 to vector<16xi32>
      %min3A_251 = arith.minsi %add3A_248, %min3A_250 : vector<16xi32>
      %gather3A_252 = tpu.vector_load_idx %arg16[%min3A_251] : memref<1000xf32, #tpu.memory_space<vmem>>[vector<16xi32>], vector<16xf32>,
      %lt3A_253 = arith.cmpf olt, %gather3A_252, %get3A_159 : vector<16xf32>
      %gt3A_254 = arith.constant 0 : i32
      %gt3A_255 = vector.broadcast %gt3A_254 : i32 to vector<16xi32>
      %gt3A_256 = arith.cmpi sgt, %select_n3A_244, %gt3A_255 : vector<16xi32>
      %and3A_257 = arith.andi %lt3A_253, %gt3A_256 : vector<16xi1>
      %add3A_258 = arith.constant 1 : i32
      %add3A_259 = vector.broadcast %add3A_258 : i32 to vector<16xi32>
      %add3A_260 = arith.addi %add3A_248, %add3A_259 : vector<16xi32>
      %select_n3A_261 = arith.select %and3A_257, %add3A_260, %select_n3A_239 : vector<16xi1>, vector<16xi32>
      %sub3A_262 = arith.subi %select_n3A_244, %shift_right_logical3A_247 : vector<16xi32>
      %sub3A_263 = arith.constant 1 : i32
      %sub3A_264 = vector.broadcast %sub3A_263 : i32 to vector<16xi32>
      %sub3A_265 = arith.subi %sub3A_262, %sub3A_264 : vector<16xi32>
      %select_n3A_266 = arith.select %and3A_257, %sub3A_265, %shift_right_logical3A_247 : vector<16xi1>, vector<16xi32>
      %shift_right_logical3A_267 = arith.constant 1 : i32
      %shift_right_logical3A_268 = vector.broadcast %shift_right_logical3A_267 : i32 to vector<16xi32>
      %shift_right_logical3A_269 = arith.shrui %select_n3A_266, %shift_right_logical3A_268 : vector<16xi32>
      %add3A_270 = arith.addi %select_n3A_261, %shift_right_logical3A_269 : vector<16xi32>
      %min3A_271 = arith.constant 999 : i32
      %min3A_272 = vector.broadcast %min3A_271 : i32 to vector<16xi32>
      %min3A_273 = arith.minsi %add3A_270, %min3A_272 : vector<16xi32>
      %gather3A_274 = tpu.vector_load_idx %arg16[%min3A_273] : memref<1000xf32, #tpu.memory_space<vmem>>[vector<16xi32>], vector<16xf32>,
      %lt3A_275 = arith.cmpf olt, %gather3A_274, %get3A_159 : vector<16xf32>
      %gt3A_276 = arith.constant 0 : i32
      %gt3A_277 = vector.broadcast %gt3A_276 : i32 to vector<16xi32>
      %gt3A_278 = arith.cmpi sgt, %select_n3A_266, %gt3A_277 : vector<16xi32>
      %and3A_279 = arith.andi %lt3A_275, %gt3A_278 : vector<16xi1>
      %add3A_280 = arith.constant 1 : i32
      %add3A_281 = vector.broadcast %add3A_280 : i32 to vector<16xi32>
      %add3A_282 = arith.addi %add3A_270, %add3A_281 : vector<16xi32>
      %select_n3A_283 = arith.select %and3A_279, %add3A_282, %select_n3A_261 : vector<16xi1>, vector<16xi32>
      %sub3A_284 = arith.subi %select_n3A_266, %shift_right_logical3A_269 : vector<16xi32>
      %sub3A_285 = arith.constant 1 : i32
      %sub3A_286 = vector.broadcast %sub3A_285 : i32 to vector<16xi32>
      %sub3A_287 = arith.subi %sub3A_284, %sub3A_286 : vector<16xi32>
      %select_n3A_288 = arith.select %and3A_279, %sub3A_287, %shift_right_logical3A_269 : vector<16xi1>, vector<16xi32>
      %shift_right_logical3A_289 = arith.constant 1 : i32
      %shift_right_logical3A_290 = vector.broadcast %shift_right_logical3A_289 : i32 to vector<16xi32>
      %shift_right_logical3A_291 = arith.shrui %select_n3A_288, %shift_right_logical3A_290 : vector<16xi32>
      %add3A_292 = arith.addi %select_n3A_283, %shift_right_logical3A_291 : vector<16xi32>
      %min3A_293 = arith.constant 999 : i32
      %min3A_294 = vector.broadcast %min3A_293 : i32 to vector<16xi32>
      %min3A_295 = arith.minsi %add3A_292, %min3A_294 : vector<16xi32>
      %gather3A_296 = tpu.vector_load_idx %arg16[%min3A_295] : memref<1000xf32, #tpu.memory_space<vmem>>[vector<16xi32>], vector<16xf32>,
      %lt3A_297 = arith.cmpf olt, %gather3A_296, %get3A_159 : vector<16xf32>
      %gt3A_298 = arith.constant 0 : i32
      %gt3A_299 = vector.broadcast %gt3A_298 : i32 to vector<16xi32>
      %gt3A_300 = arith.cmpi sgt, %select_n3A_288, %gt3A_299 : vector<16xi32>
      %and3A_301 = arith.andi %lt3A_297, %gt3A_300 : vector<16xi1>
      %add3A_302 = arith.constant 1 : i32
      %add3A_303 = vector.broadcast %add3A_302 : i32 to vector<16xi32>
      %add3A_304 = arith.addi %add3A_292, %add3A_303 : vector<16xi32>
      %select_n3A_305 = arith.select %and3A_301, %add3A_304, %select_n3A_283 : vector<16xi1>, vector<16xi32>
      %sub3A_306 = arith.subi %select_n3A_288, %shift_right_logical3A_291 : vector<16xi32>
      %sub3A_307 = arith.constant 1 : i32
      %sub3A_308 = vector.broadcast %sub3A_307 : i32 to vector<16xi32>
      %sub3A_309 = arith.subi %sub3A_306, %sub3A_308 : vector<16xi32>
      %select_n3A_310 = arith.select %and3A_301, %sub3A_309, %shift_right_logical3A_291 : vector<16xi1>, vector<16xi32>
      %shift_right_logical3A_311 = arith.constant 1 : i32
      %shift_right_logical3A_312 = vector.broadcast %shift_right_logical3A_311 : i32 to vector<16xi32>
      %shift_right_logical3A_313 = arith.shrui %select_n3A_310, %shift_right_logical3A_312 : vector<16xi32>
      %add3A_314 = arith.addi %select_n3A_305, %shift_right_logical3A_313 : vector<16xi32>
      %min3A_315 = arith.constant 999 : i32
      %min3A_316 = vector.broadcast %min3A_315 : i32 to vector<16xi32>
      %min3A_317 = arith.minsi %add3A_314, %min3A_316 : vector<16xi32>
      %gather3A_318 = tpu.vector_load_idx %arg16[%min3A_317] : memref<1000xf32, #tpu.memory_space<vmem>>[vector<16xi32>], vector<16xf32>,
      %lt3A_319 = arith.cmpf olt, %gather3A_318, %get3A_159 : vector<16xf32>
      %gt3A_320 = arith.constant 0 : i32
      %gt3A_321 = vector.broadcast %gt3A_320 : i32 to vector<16xi32>
      %gt3A_322 = arith.cmpi sgt, %select_n3A_310, %gt3A_321 : vector<16xi32>
      %and3A_323 = arith.andi %lt3A_319, %gt3A_322 : vector<16xi1>
      %add3A_324 = arith.constant 1 : i32
      %add3A_325 = vector.broadcast %add3A_324 : i32 to vector<16xi32>
      %add3A_326 = arith.addi %add3A_314, %add3A_325 : vector<16xi32>
      %select_n3A_327 = arith.select %and3A_323, %add3A_326, %select_n3A_305 : vector<16xi1>, vector<16xi32>
      %sub3A_328 = arith.subi %select_n3A_310, %shift_right_logical3A_313 : vector<16xi32>
      %sub3A_329 = arith.constant 1 : i32
      %sub3A_330 = vector.broadcast %sub3A_329 : i32 to vector<16xi32>
      %sub3A_331 = arith.subi %sub3A_328, %sub3A_330 : vector<16xi32>
      %select_n3A_332 = arith.select %and3A_323, %sub3A_331, %shift_right_logical3A_313 : vector<16xi1>, vector<16xi32>
      %shift_right_logical3A_333 = arith.constant 1 : i32
      %shift_right_logical3A_334 = vector.broadcast %shift_right_logical3A_333 : i32 to vector<16xi32>
      %shift_right_logical3A_335 = arith.shrui %select_n3A_332, %shift_right_logical3A_334 : vector<16xi32>
      %add3A_336 = arith.addi %select_n3A_327, %shift_right_logical3A_335 : vector<16xi32>
      %min3A_337 = arith.constant 999 : i32
      %min3A_338 = vector.broadcast %min3A_337 : i32 to vector<16xi32>
      %min3A_339 = arith.minsi %add3A_336, %min3A_338 : vector<16xi32>
      %gather3A_340 = tpu.vector_load_idx %arg16[%min3A_339] : memref<1000xf32, #tpu.memory_space<vmem>>[vector<16xi32>], vector<16xf32>,
      %lt3A_341 = arith.cmpf olt, %gather3A_340, %get3A_159 : vector<16xf32>
      %gt3A_342 = arith.constant 0 : i32
      %gt3A_343 = vector.broadcast %gt3A_342 : i32 to vector<16xi32>
      %gt3A_344 = arith.cmpi sgt, %select_n3A_332, %gt3A_343 : vector<16xi32>
      %and3A_345 = arith.andi %lt3A_341, %gt3A_344 : vector<16xi1>
      %add3A_346 = arith.constant 1 : i32
      %add3A_347 = vector.broadcast %add3A_346 : i32 to vector<16xi32>
      %add3A_348 = arith.addi %add3A_336, %add3A_347 : vector<16xi32>
      %select_n3A_349 = arith.select %and3A_345, %add3A_348, %select_n3A_327 : vector<16xi1>, vector<16xi32>
      %sub3A_350 = arith.subi %select_n3A_332, %shift_right_logical3A_335 : vector<16xi32>
      %sub3A_351 = arith.constant 1 : i32
      %sub3A_352 = vector.broadcast %sub3A_351 : i32 to vector<16xi32>
      %sub3A_353 = arith.subi %sub3A_350, %sub3A_352 : vector<16xi32>
      %select_n3A_354 = arith.select %and3A_345, %sub3A_353, %shift_right_logical3A_335 : vector<16xi1>, vector<16xi32>
      %shift_right_logical3A_355 = arith.constant 1 : i32
      %shift_right_logical3A_356 = vector.broadcast %shift_right_logical3A_355 : i32 to vector<16xi32>
      %shift_right_logical3A_357 = arith.shrui %select_n3A_354, %shift_right_logical3A_356 : vector<16xi32>
      %add3A_358 = arith.addi %select_n3A_349, %shift_right_logical3A_357 : vector<16xi32>
      %min3A_359 = arith.constant 999 : i32
      %min3A_360 = vector.broadcast %min3A_359 : i32 to vector<16xi32>
      %min3A_361 = arith.minsi %add3A_358, %min3A_360 : vector<16xi32>
      %gather3A_362 = tpu.vector_load_idx %arg16[%min3A_361] : memref<1000xf32, #tpu.memory_space<vmem>>[vector<16xi32>], vector<16xf32>,
      %lt3A_363 = arith.cmpf olt, %gather3A_362, %get3A_159 : vector<16xf32>
      %gt3A_364 = arith.constant 0 : i32
      %gt3A_365 = vector.broadcast %gt3A_364 : i32 to vector<16xi32>
      %gt3A_366 = arith.cmpi sgt, %select_n3A_354, %gt3A_365 : vector<16xi32>
      %and3A_367 = arith.andi %lt3A_363, %gt3A_366 : vector<16xi1>
      %add3A_368 = arith.constant 1 : i32
      %add3A_369 = vector.broadcast %add3A_368 : i32 to vector<16xi32>
      %add3A_370 = arith.addi %add3A_358, %add3A_369 : vector<16xi32>
      %select_n3A_371 = arith.select %and3A_367, %add3A_370, %select_n3A_349 : vector<16xi1>, vector<16xi32>
      %sub3A_372 = arith.subi %select_n3A_354, %shift_right_logical3A_357 : vector<16xi32>
      %sub3A_373 = arith.constant 1 : i32
      %sub3A_374 = vector.broadcast %sub3A_373 : i32 to vector<16xi32>
      %sub3A_375 = arith.subi %sub3A_372, %sub3A_374 : vector<16xi32>
      %select_n3A_376 = arith.select %and3A_367, %sub3A_375, %shift_right_logical3A_357 : vector<16xi1>, vector<16xi32>
      %swap3A = arith.index_cast %mul3A_157 : i32 to index
      %swap3A_377 = tpu.vector_load %arg14[%swap3A] {strides = array<i32>} : memref<512xi32, #tpu.memory_space<vmem>>, vector<16xi32>,
      tpu.vector_store %arg14[%swap3A], %select_n3A_371 {strides = array<i32>} : memref<512xi32, #tpu.memory_space<vmem>>, vector<16xi32>,
      %iota3A_378 = tpu.iota {dimensions = array<i32: 0>} : vector<16xi32>
      %add3A_379 = vector.broadcast %mul3A_157 : i32 to vector<16xi32>
      %add3A_380 = arith.addi %add3A_379, %iota3A_378 : vector<16xi32>
      %mul3A_381 = arith.constant 9 : i32
      %mul3A_382 = vector.broadcast %mul3A_381 : i32 to vector<16xi32>
      %mul3A_383 = arith.muli %add3A_380, %mul3A_382 : vector<16xi32>
      %add3A_384 = arith.constant 8 : i32
      %add3A_385 = vector.broadcast %add3A_384 : i32 to vector<16xi32>
      %add3A_386 = arith.addi %mul3A_383, %add3A_385 : vector<16xi32>
      %sub3A_387 = arith.subf %get3A_159, %get3A_5 : vector<16xf32>
      %div3A = arith.divf %sub3A_387, %get3A_7 : vector<16xf32>
      tpu.vector_store_idx %arg18[%add3A_386], %div3A : memref<4624xf32, #tpu.memory_space<vmem>>[vector<16xi32>], vector<16xf32>,
      %mul3A_388 = arith.constant 10 : i32
      %mul3A_389 = vector.broadcast %mul3A_388 : i32 to vector<16xi32>
      %mul3A_390 = arith.muli %add3A_380, %mul3A_389 : vector<16xi32>
      %broadcast_in_dim3A_391 = arith.constant 0.000000e+00 : f32
      %broadcast_in_dim3A_392 = vector.broadcast %broadcast_in_dim3A_391 : f32 to vector<16xf32>
      %broadcast_in_dim3A_393 = arith.constant 0.000000e+00 : f32
      %broadcast_in_dim3A_394 = vector.broadcast %broadcast_in_dim3A_393 : f32 to vector<16xf32>
      %broadcast_in_dim3A_395 = arith.constant 0.000000e+00 : f32
      %broadcast_in_dim3A_396 = vector.broadcast %broadcast_in_dim3A_395 : f32 to vector<16xf32>
      %broadcast_in_dim3A_397 = arith.constant 0.000000e+00 : f32
      %broadcast_in_dim3A_398 = vector.broadcast %broadcast_in_dim3A_397 : f32 to vector<16xf32>
      %broadcast_in_dim3A_399 = arith.constant 0.000000e+00 : f32
      %broadcast_in_dim3A_400 = vector.broadcast %broadcast_in_dim3A_399 : f32 to vector<16xf32>
      %broadcast_in_dim3A_401 = arith.constant 0.000000e+00 : f32
      %broadcast_in_dim3A_402 = vector.broadcast %broadcast_in_dim3A_401 : f32 to vector<16xf32>
      %broadcast_in_dim3A_403 = arith.constant 0.000000e+00 : f32
      %broadcast_in_dim3A_404 = vector.broadcast %broadcast_in_dim3A_403 : f32 to vector<16xf32>
      %broadcast_in_dim3A_405 = arith.constant 0.000000e+00 : f32
      %broadcast_in_dim3A_406 = vector.broadcast %broadcast_in_dim3A_405 : f32 to vector<16xf32>
      %add3A_407 = arith.constant 0 : i32
      %add3A_408 = vector.broadcast %add3A_407 : i32 to vector<16xi32>
      %add3A_409 = arith.addi %mul3A_390, %add3A_408 : vector<16xi32>
      %gather3A_410 = tpu.vector_load_idx %arg13[%add3A_409] : memref<5120xi32, #tpu.memory_space<vmem>>[vector<16xi32>], vector<16xi32>,
      %mul3A_411 = arith.constant 8 : i32
      %mul3A_412 = vector.broadcast %mul3A_411 : i32 to vector<16xi32>
      %mul3A_413 = arith.muli %gather3A_410, %mul3A_412 : vector<16xi32>
      %add3A_414 = arith.constant 0 : i32
      %add3A_415 = vector.broadcast %add3A_414 : i32 to vector<16xi32>
      %add3A_416 = arith.addi %mul3A_413, %add3A_415 : vector<16xi32>
      %gather3A_417 = tpu.vector_load_idx %arg15[%add3A_416] : memref<1024xf32, #tpu.memory_space<vmem>>[vector<16xi32>], vector<16xf32>,
      %add3A_418 = arith.addf %broadcast_in_dim3A_392, %gather3A_417 : vector<16xf32>
      %add3A_419 = arith.constant 1 : i32
      %add3A_420 = vector.broadcast %add3A_419 : i32 to vector<16xi32>
      %add3A_421 = arith.addi %mul3A_413, %add3A_420 : vector<16xi32>
      %gather3A_422 = tpu.vector_load_idx %arg15[%add3A_421] : memref<1024xf32, #tpu.memory_space<vmem>>[vector<16xi32>], vector<16xf32>,
      %add3A_423 = arith.addf %broadcast_in_dim3A_394, %gather3A_422 : vector<16xf32>
      %add3A_424 = arith.constant 2 : i32
      %add3A_425 = vector.broadcast %add3A_424 : i32 to vector<16xi32>
      %add3A_426 = arith.addi %mul3A_413, %add3A_425 : vector<16xi32>
      %gather3A_427 = tpu.vector_load_idx %arg15[%add3A_426] : memref<1024xf32, #tpu.memory_space<vmem>>[vector<16xi32>], vector<16xf32>,
      %add3A_428 = arith.addf %broadcast_in_dim3A_396, %gather3A_427 : vector<16xf32>
      %add3A_429 = arith.constant 3 : i32
      %add3A_430 = vector.broadcast %add3A_429 : i32 to vector<16xi32>
      %add3A_431 = arith.addi %mul3A_413, %add3A_430 : vector<16xi32>
      %gather3A_432 = tpu.vector_load_idx %arg15[%add3A_431] : memref<1024xf32, #tpu.memory_space<vmem>>[vector<16xi32>], vector<16xf32>,
      %add3A_433 = arith.addf %broadcast_in_dim3A_398, %gather3A_432 : vector<16xf32>
      %add3A_434 = arith.constant 4 : i32
      %add3A_435 = vector.broadcast %add3A_434 : i32 to vector<16xi32>
      %add3A_436 = arith.addi %mul3A_413, %add3A_435 : vector<16xi32>
      %gather3A_437 = tpu.vector_load_idx %arg15[%add3A_436] : memref<1024xf32, #tpu.memory_space<vmem>>[vector<16xi32>], vector<16xf32>,
      %add3A_438 = arith.addf %broadcast_in_dim3A_400, %gather3A_437 : vector<16xf32>
      %add3A_439 = arith.constant 5 : i32
      %add3A_440 = vector.broadcast %add3A_439 : i32 to vector<16xi32>
      %add3A_441 = arith.addi %mul3A_413, %add3A_440 : vector<16xi32>
      %gather3A_442 = tpu.vector_load_idx %arg15[%add3A_441] : memref<1024xf32, #tpu.memory_space<vmem>>[vector<16xi32>], vector<16xf32>,
      %add3A_443 = arith.addf %broadcast_in_dim3A_402, %gather3A_442 : vector<16xf32>
      %add3A_444 = arith.constant 6 : i32
      %add3A_445 = vector.broadcast %add3A_444 : i32 to vector<16xi32>
      %add3A_446 = arith.addi %mul3A_413, %add3A_445 : vector<16xi32>
      %gather3A_447 = tpu.vector_load_idx %arg15[%add3A_446] : memref<1024xf32, #tpu.memory_space<vmem>>[vector<16xi32>], vector<16xf32>,
      %add3A_448 = arith.addf %broadcast_in_dim3A_404, %gather3A_447 : vector<16xf32>
      %add3A_449 = arith.constant 7 : i32
      %add3A_450 = vector.broadcast %add3A_449 : i32 to vector<16xi32>
      %add3A_451 = arith.addi %mul3A_413, %add3A_450 : vector<16xi32>
      %gather3A_452 = tpu.vector_load_idx %arg15[%add3A_451] : memref<1024xf32, #tpu.memory_space<vmem>>[vector<16xi32>], vector<16xf32>,
      %add3A_453 = arith.addf %broadcast_in_dim3A_406, %gather3A_452 : vector<16xf32>
      %add3A_454 = arith.constant 1 : i32
      %add3A_455 = vector.broadcast %add3A_454 : i32 to vector<16xi32>
      %add3A_456 = arith.addi %mul3A_390, %add3A_455 : vector<16xi32>
      %gather3A_457 = tpu.vector_load_idx %arg13[%add3A_456] : memref<5120xi32, #tpu.memory_space<vmem>>[vector<16xi32>], vector<16xi32>,
      %mul3A_458 = arith.constant 8 : i32
      %mul3A_459 = vector.broadcast %mul3A_458 : i32 to vector<16xi32>
      %mul3A_460 = arith.muli %gather3A_457, %mul3A_459 : vector<16xi32>
      %add3A_461 = arith.constant 0 : i32
      %add3A_462 = vector.broadcast %add3A_461 : i32 to vector<16xi32>
      %add3A_463 = arith.addi %mul3A_460, %add3A_462 : vector<16xi32>
      %gather3A_464 = tpu.vector_load_idx %arg15[%add3A_463] : memref<1024xf32, #tpu.memory_space<vmem>>[vector<16xi32>], vector<16xf32>,
      %add3A_465 = arith.addf %add3A_418, %gather3A_464 : vector<16xf32>
      %add3A_466 = arith.constant 1 : i32
      %add3A_467 = vector.broadcast %add3A_466 : i32 to vector<16xi32>
      %add3A_468 = arith.addi %mul3A_460, %add3A_467 : vector<16xi32>
      %gather3A_469 = tpu.vector_load_idx %arg15[%add3A_468] : memref<1024xf32, #tpu.memory_space<vmem>>[vector<16xi32>], vector<16xf32>,
      %add3A_470 = arith.addf %add3A_423, %gather3A_469 : vector<16xf32>
      %add3A_471 = arith.constant 2 : i32
      %add3A_472 = vector.broadcast %add3A_471 : i32 to vector<16xi32>
      %add3A_473 = arith.addi %mul3A_460, %add3A_472 : vector<16xi32>
      %gather3A_474 = tpu.vector_load_idx %arg15[%add3A_473] : memref<1024xf32, #tpu.memory_space<vmem>>[vector<16xi32>], vector<16xf32>,
      %add3A_475 = arith.addf %add3A_428, %gather3A_474 : vector<16xf32>
      %add3A_476 = arith.constant 3 : i32
      %add3A_477 = vector.broadcast %add3A_476 : i32 to vector<16xi32>
      %add3A_478 = arith.addi %mul3A_460, %add3A_477 : vector<16xi32>
      %gather3A_479 = tpu.vector_load_idx %arg15[%add3A_478] : memref<1024xf32, #tpu.memory_space<vmem>>[vector<16xi32>], vector<16xf32>,
      %add3A_480 = arith.addf %add3A_433, %gather3A_479 : vector<16xf32>
      %add3A_481 = arith.constant 4 : i32
      %add3A_482 = vector.broadcast %add3A_481 : i32 to vector<16xi32>
      %add3A_483 = arith.addi %mul3A_460, %add3A_482 : vector<16xi32>
      %gather3A_484 = tpu.vector_load_idx %arg15[%add3A_483] : memref<1024xf32, #tpu.memory_space<vmem>>[vector<16xi32>], vector<16xf32>,
      %add3A_485 = arith.addf %add3A_438, %gather3A_484 : vector<16xf32>
      %add3A_486 = arith.constant 5 : i32
      %add3A_487 = vector.broadcast %add3A_486 : i32 to vector<16xi32>
      %add3A_488 = arith.addi %mul3A_460, %add3A_487 : vector<16xi32>
      %gather3A_489 = tpu.vector_load_idx %arg15[%add3A_488] : memref<1024xf32, #tpu.memory_space<vmem>>[vector<16xi32>], vector<16xf32>,
      %add3A_490 = arith.addf %add3A_443, %gather3A_489 : vector<16xf32>
      %add3A_491 = arith.constant 6 : i32
      %add3A_492 = vector.broadcast %add3A_491 : i32 to vector<16xi32>
      %add3A_493 = arith.addi %mul3A_460, %add3A_492 : vector<16xi32>
      %gather3A_494 = tpu.vector_load_idx %arg15[%add3A_493] : memref<1024xf32, #tpu.memory_space<vmem>>[vector<16xi32>], vector<16xf32>,
      %add3A_495 = arith.addf %add3A_448, %gather3A_494 : vector<16xf32>
      %add3A_496 = arith.constant 7 : i32
      %add3A_497 = vector.broadcast %add3A_496 : i32 to vector<16xi32>
      %add3A_498 = arith.addi %mul3A_460, %add3A_497 : vector<16xi32>
      %gather3A_499 = tpu.vector_load_idx %arg15[%add3A_498] : memref<1024xf32, #tpu.memory_space<vmem>>[vector<16xi32>], vector<16xf32>,
      %add3A_500 = arith.addf %add3A_453, %gather3A_499 : vector<16xf32>
      %add3A_501 = arith.constant 2 : i32
      %add3A_502 = vector.broadcast %add3A_501 : i32 to vector<16xi32>
      %add3A_503 = arith.addi %mul3A_390, %add3A_502 : vector<16xi32>
      %gather3A_504 = tpu.vector_load_idx %arg13[%add3A_503] : memref<5120xi32, #tpu.memory_space<vmem>>[vector<16xi32>], vector<16xi32>,
      %mul3A_505 = arith.constant 8 : i32
      %mul3A_506 = vector.broadcast %mul3A_505 : i32 to vector<16xi32>
      %mul3A_507 = arith.muli %gather3A_504, %mul3A_506 : vector<16xi32>
      %add3A_508 = arith.constant 0 : i32
      %add3A_509 = vector.broadcast %add3A_508 : i32 to vector<16xi32>
      %add3A_510 = arith.addi %mul3A_507, %add3A_509 : vector<16xi32>
      %gather3A_511 = tpu.vector_load_idx %arg15[%add3A_510] : memref<1024xf32, #tpu.memory_space<vmem>>[vector<16xi32>], vector<16xf32>,
      %add3A_512 = arith.addf %add3A_465, %gather3A_511 : vector<16xf32>
      %add3A_513 = arith.constant 1 : i32
      %add3A_514 = vector.broadcast %add3A_513 : i32 to vector<16xi32>
      %add3A_515 = arith.addi %mul3A_507, %add3A_514 : vector<16xi32>
      %gather3A_516 = tpu.vector_load_idx %arg15[%add3A_515] : memref<1024xf32, #tpu.memory_space<vmem>>[vector<16xi32>], vector<16xf32>,
      %add3A_517 = arith.addf %add3A_470, %gather3A_516 : vector<16xf32>
      %add3A_518 = arith.constant 2 : i32
      %add3A_519 = vector.broadcast %add3A_518 : i32 to vector<16xi32>
      %add3A_520 = arith.addi %mul3A_507, %add3A_519 : vector<16xi32>
      %gather3A_521 = tpu.vector_load_idx %arg15[%add3A_520] : memref<1024xf32, #tpu.memory_space<vmem>>[vector<16xi32>], vector<16xf32>,
      %add3A_522 = arith.addf %add3A_475, %gather3A_521 : vector<16xf32>
      %add3A_523 = arith.constant 3 : i32
      %add3A_524 = vector.broadcast %add3A_523 : i32 to vector<16xi32>
      %add3A_525 = arith.addi %mul3A_507, %add3A_524 : vector<16xi32>
      %gather3A_526 = tpu.vector_load_idx %arg15[%add3A_525] : memref<1024xf32, #tpu.memory_space<vmem>>[vector<16xi32>], vector<16xf32>,
      %add3A_527 = arith.addf %add3A_480, %gather3A_526 : vector<16xf32>
      %add3A_528 = arith.constant 4 : i32
      %add3A_529 = vector.broadcast %add3A_528 : i32 to vector<16xi32>
      %add3A_530 = arith.addi %mul3A_507, %add3A_529 : vector<16xi32>
      %gather3A_531 = tpu.vector_load_idx %arg15[%add3A_530] : memref<1024xf32, #tpu.memory_space<vmem>>[vector<16xi32>], vector<16xf32>,
      %add3A_532 = arith.addf %add3A_485, %gather3A_531 : vector<16xf32>
      %add3A_533 = arith.constant 5 : i32
      %add3A_534 = vector.broadcast %add3A_533 : i32 to vector<16xi32>
      %add3A_535 = arith.addi %mul3A_507, %add3A_534 : vector<16xi32>
      %gather3A_536 = tpu.vector_load_idx %arg15[%add3A_535] : memref<1024xf32, #tpu.memory_space<vmem>>[vector<16xi32>], vector<16xf32>,
      %add3A_537 = arith.addf %add3A_490, %gather3A_536 : vector<16xf32>
      %add3A_538 = arith.constant 6 : i32
      %add3A_539 = vector.broadcast %add3A_538 : i32 to vector<16xi32>
      %add3A_540 = arith.addi %mul3A_507, %add3A_539 : vector<16xi32>
      %gather3A_541 = tpu.vector_load_idx %arg15[%add3A_540] : memref<1024xf32, #tpu.memory_space<vmem>>[vector<16xi32>], vector<16xf32>,
      %add3A_542 = arith.addf %add3A_495, %gather3A_541 : vector<16xf32>
      %add3A_543 = arith.constant 7 : i32
      %add3A_544 = vector.broadcast %add3A_543 : i32 to vector<16xi32>
      %add3A_545 = arith.addi %mul3A_507, %add3A_544 : vector<16xi32>
      %gather3A_546 = tpu.vector_load_idx %arg15[%add3A_545] : memref<1024xf32, #tpu.memory_space<vmem>>[vector<16xi32>], vector<16xf32>,
      %add3A_547 = arith.addf %add3A_500, %gather3A_546 : vector<16xf32>
      %add3A_548 = arith.constant 3 : i32
      %add3A_549 = vector.broadcast %add3A_548 : i32 to vector<16xi32>
      %add3A_550 = arith.addi %mul3A_390, %add3A_549 : vector<16xi32>
      %gather3A_551 = tpu.vector_load_idx %arg13[%add3A_550] : memref<5120xi32, #tpu.memory_space<vmem>>[vector<16xi32>], vector<16xi32>,
      %mul3A_552 = arith.constant 8 : i32
      %mul3A_553 = vector.broadcast %mul3A_552 : i32 to vector<16xi32>
      %mul3A_554 = arith.muli %gather3A_551, %mul3A_553 : vector<16xi32>
      %add3A_555 = arith.constant 0 : i32
      %add3A_556 = vector.broadcast %add3A_555 : i32 to vector<16xi32>
      %add3A_557 = arith.addi %mul3A_554, %add3A_556 : vector<16xi32>
      %gather3A_558 = tpu.vector_load_idx %arg15[%add3A_557] : memref<1024xf32, #tpu.memory_space<vmem>>[vector<16xi32>], vector<16xf32>,
      %add3A_559 = arith.addf %add3A_512, %gather3A_558 : vector<16xf32>
      %add3A_560 = arith.constant 1 : i32
      %add3A_561 = vector.broadcast %add3A_560 : i32 to vector<16xi32>
      %add3A_562 = arith.addi %mul3A_554, %add3A_561 : vector<16xi32>
      %gather3A_563 = tpu.vector_load_idx %arg15[%add3A_562] : memref<1024xf32, #tpu.memory_space<vmem>>[vector<16xi32>], vector<16xf32>,
      %add3A_564 = arith.addf %add3A_517, %gather3A_563 : vector<16xf32>
      %add3A_565 = arith.constant 2 : i32
      %add3A_566 = vector.broadcast %add3A_565 : i32 to vector<16xi32>
      %add3A_567 = arith.addi %mul3A_554, %add3A_566 : vector<16xi32>
      %gather3A_568 = tpu.vector_load_idx %arg15[%add3A_567] : memref<1024xf32, #tpu.memory_space<vmem>>[vector<16xi32>], vector<16xf32>,
      %add3A_569 = arith.addf %add3A_522, %gather3A_568 : vector<16xf32>
      %add3A_570 = arith.constant 3 : i32
      %add3A_571 = vector.broadcast %add3A_570 : i32 to vector<16xi32>
      %add3A_572 = arith.addi %mul3A_554, %add3A_571 : vector<16xi32>
      %gather3A_573 = tpu.vector_load_idx %arg15[%add3A_572] : memref<1024xf32, #tpu.memory_space<vmem>>[vector<16xi32>], vector<16xf32>,
      %add3A_574 = arith.addf %add3A_527, %gather3A_573 : vector<16xf32>
      %add3A_575 = arith.constant 4 : i32
      %add3A_576 = vector.broadcast %add3A_575 : i32 to vector<16xi32>
      %add3A_577 = arith.addi %mul3A_554, %add3A_576 : vector<16xi32>
      %gather3A_578 = tpu.vector_load_idx %arg15[%add3A_577] : memref<1024xf32, #tpu.memory_space<vmem>>[vector<16xi32>], vector<16xf32>,
      %add3A_579 = arith.addf %add3A_532, %gather3A_578 : vector<16xf32>
      %add3A_580 = arith.constant 5 : i32
      %add3A_581 = vector.broadcast %add3A_580 : i32 to vector<16xi32>
      %add3A_582 = arith.addi %mul3A_554, %add3A_581 : vector<16xi32>
      %gather3A_583 = tpu.vector_load_idx %arg15[%add3A_582] : memref<1024xf32, #tpu.memory_space<vmem>>[vector<16xi32>], vector<16xf32>,
      %add3A_584 = arith.addf %add3A_537, %gather3A_583 : vector<16xf32>
      %add3A_585 = arith.constant 6 : i32
      %add3A_586 = vector.broadcast %add3A_585 : i32 to vector<16xi32>
      %add3A_587 = arith.addi %mul3A_554, %add3A_586 : vector<16xi32>
      %gather3A_588 = tpu.vector_load_idx %arg15[%add3A_587] : memref<1024xf32, #tpu.memory_space<vmem>>[vector<16xi32>], vector<16xf32>,
      %add3A_589 = arith.addf %add3A_542, %gather3A_588 : vector<16xf32>
      %add3A_590 = arith.constant 7 : i32
      %add3A_591 = vector.broadcast %add3A_590 : i32 to vector<16xi32>
      %add3A_592 = arith.addi %mul3A_554, %add3A_591 : vector<16xi32>
      %gather3A_593 = tpu.vector_load_idx %arg15[%add3A_592] : memref<1024xf32, #tpu.memory_space<vmem>>[vector<16xi32>], vector<16xf32>,
      %add3A_594 = arith.addf %add3A_547, %gather3A_593 : vector<16xf32>
      %add3A_595 = arith.constant 4 : i32
      %add3A_596 = vector.broadcast %add3A_595 : i32 to vector<16xi32>
      %add3A_597 = arith.addi %mul3A_390, %add3A_596 : vector<16xi32>
      %gather3A_598 = tpu.vector_load_idx %arg13[%add3A_597] : memref<5120xi32, #tpu.memory_space<vmem>>[vector<16xi32>], vector<16xi32>,
      %mul3A_599 = arith.constant 8 : i32
      %mul3A_600 = vector.broadcast %mul3A_599 : i32 to vector<16xi32>
      %mul3A_601 = arith.muli %gather3A_598, %mul3A_600 : vector<16xi32>
      %add3A_602 = arith.constant 0 : i32
      %add3A_603 = vector.broadcast %add3A_602 : i32 to vector<16xi32>
      %add3A_604 = arith.addi %mul3A_601, %add3A_603 : vector<16xi32>
      %gather3A_605 = tpu.vector_load_idx %arg15[%add3A_604] : memref<1024xf32, #tpu.memory_space<vmem>>[vector<16xi32>], vector<16xf32>,
      %add3A_606 = arith.addf %add3A_559, %gather3A_605 : vector<16xf32>
      %add3A_607 = arith.constant 1 : i32
      %add3A_608 = vector.broadcast %add3A_607 : i32 to vector<16xi32>
      %add3A_609 = arith.addi %mul3A_601, %add3A_608 : vector<16xi32>
      %gather3A_610 = tpu.vector_load_idx %arg15[%add3A_609] : memref<1024xf32, #tpu.memory_space<vmem>>[vector<16xi32>], vector<16xf32>,
      %add3A_611 = arith.addf %add3A_564, %gather3A_610 : vector<16xf32>
      %add3A_612 = arith.constant 2 : i32
      %add3A_613 = vector.broadcast %add3A_612 : i32 to vector<16xi32>
      %add3A_614 = arith.addi %mul3A_601, %add3A_613 : vector<16xi32>
      %gather3A_615 = tpu.vector_load_idx %arg15[%add3A_614] : memref<1024xf32, #tpu.memory_space<vmem>>[vector<16xi32>], vector<16xf32>,
      %add3A_616 = arith.addf %add3A_569, %gather3A_615 : vector<16xf32>
      %add3A_617 = arith.constant 3 : i32
      %add3A_618 = vector.broadcast %add3A_617 : i32 to vector<16xi32>
      %add3A_619 = arith.addi %mul3A_601, %add3A_618 : vector<16xi32>
      %gather3A_620 = tpu.vector_load_idx %arg15[%add3A_619] : memref<1024xf32, #tpu.memory_space<vmem>>[vector<16xi32>], vector<16xf32>,
      %add3A_621 = arith.addf %add3A_574, %gather3A_620 : vector<16xf32>
      %add3A_622 = arith.constant 4 : i32
      %add3A_623 = vector.broadcast %add3A_622 : i32 to vector<16xi32>
      %add3A_624 = arith.addi %mul3A_601, %add3A_623 : vector<16xi32>
      %gather3A_625 = tpu.vector_load_idx %arg15[%add3A_624] : memref<1024xf32, #tpu.memory_space<vmem>>[vector<16xi32>], vector<16xf32>,
      %add3A_626 = arith.addf %add3A_579, %gather3A_625 : vector<16xf32>
      %add3A_627 = arith.constant 5 : i32
      %add3A_628 = vector.broadcast %add3A_627 : i32 to vector<16xi32>
      %add3A_629 = arith.addi %mul3A_601, %add3A_628 : vector<16xi32>
      %gather3A_630 = tpu.vector_load_idx %arg15[%add3A_629] : memref<1024xf32, #tpu.memory_space<vmem>>[vector<16xi32>], vector<16xf32>,
      %add3A_631 = arith.addf %add3A_584, %gather3A_630 : vector<16xf32>
      %add3A_632 = arith.constant 6 : i32
      %add3A_633 = vector.broadcast %add3A_632 : i32 to vector<16xi32>
      %add3A_634 = arith.addi %mul3A_601, %add3A_633 : vector<16xi32>
      %gather3A_635 = tpu.vector_load_idx %arg15[%add3A_634] : memref<1024xf32, #tpu.memory_space<vmem>>[vector<16xi32>], vector<16xf32>,
      %add3A_636 = arith.addf %add3A_589, %gather3A_635 : vector<16xf32>
      %add3A_637 = arith.constant 7 : i32
      %add3A_638 = vector.broadcast %add3A_637 : i32 to vector<16xi32>
      %add3A_639 = arith.addi %mul3A_601, %add3A_638 : vector<16xi32>
      %gather3A_640 = tpu.vector_load_idx %arg15[%add3A_639] : memref<1024xf32, #tpu.memory_space<vmem>>[vector<16xi32>], vector<16xf32>,
      %add3A_641 = arith.addf %add3A_594, %gather3A_640 : vector<16xf32>
      %add3A_642 = arith.constant 5 : i32
      %add3A_643 = vector.broadcast %add3A_642 : i32 to vector<16xi32>
      %add3A_644 = arith.addi %mul3A_390, %add3A_643 : vector<16xi32>
      %gather3A_645 = tpu.vector_load_idx %arg13[%add3A_644] : memref<5120xi32, #tpu.memory_space<vmem>>[vector<16xi32>], vector<16xi32>,
      %mul3A_646 = arith.constant 8 : i32
      %mul3A_647 = vector.broadcast %mul3A_646 : i32 to vector<16xi32>
      %mul3A_648 = arith.muli %gather3A_645, %mul3A_647 : vector<16xi32>
      %add3A_649 = arith.constant 0 : i32
      %add3A_650 = vector.broadcast %add3A_649 : i32 to vector<16xi32>
      %add3A_651 = arith.addi %mul3A_648, %add3A_650 : vector<16xi32>
      %gather3A_652 = tpu.vector_load_idx %arg15[%add3A_651] : memref<1024xf32, #tpu.memory_space<vmem>>[vector<16xi32>], vector<16xf32>,
      %add3A_653 = arith.addf %add3A_606, %gather3A_652 : vector<16xf32>
      %add3A_654 = arith.constant 1 : i32
      %add3A_655 = vector.broadcast %add3A_654 : i32 to vector<16xi32>
      %add3A_656 = arith.addi %mul3A_648, %add3A_655 : vector<16xi32>
      %gather3A_657 = tpu.vector_load_idx %arg15[%add3A_656] : memref<1024xf32, #tpu.memory_space<vmem>>[vector<16xi32>], vector<16xf32>,
      %add3A_658 = arith.addf %add3A_611, %gather3A_657 : vector<16xf32>
      %add3A_659 = arith.constant 2 : i32
      %add3A_660 = vector.broadcast %add3A_659 : i32 to vector<16xi32>
      %add3A_661 = arith.addi %mul3A_648, %add3A_660 : vector<16xi32>
      %gather3A_662 = tpu.vector_load_idx %arg15[%add3A_661] : memref<1024xf32, #tpu.memory_space<vmem>>[vector<16xi32>], vector<16xf32>,
      %add3A_663 = arith.addf %add3A_616, %gather3A_662 : vector<16xf32>
      %add3A_664 = arith.constant 3 : i32
      %add3A_665 = vector.broadcast %add3A_664 : i32 to vector<16xi32>
      %add3A_666 = arith.addi %mul3A_648, %add3A_665 : vector<16xi32>
      %gather3A_667 = tpu.vector_load_idx %arg15[%add3A_666] : memref<1024xf32, #tpu.memory_space<vmem>>[vector<16xi32>], vector<16xf32>,
      %add3A_668 = arith.addf %add3A_621, %gather3A_667 : vector<16xf32>
      %add3A_669 = arith.constant 4 : i32
      %add3A_670 = vector.broadcast %add3A_669 : i32 to vector<16xi32>
      %add3A_671 = arith.addi %mul3A_648, %add3A_670 : vector<16xi32>
      %gather3A_672 = tpu.vector_load_idx %arg15[%add3A_671] : memref<1024xf32, #tpu.memory_space<vmem>>[vector<16xi32>], vector<16xf32>,
      %add3A_673 = arith.addf %add3A_626, %gather3A_672 : vector<16xf32>
      %add3A_674 = arith.constant 5 : i32
      %add3A_675 = vector.broadcast %add3A_674 : i32 to vector<16xi32>
      %add3A_676 = arith.addi %mul3A_648, %add3A_675 : vector<16xi32>
      %gather3A_677 = tpu.vector_load_idx %arg15[%add3A_676] : memref<1024xf32, #tpu.memory_space<vmem>>[vector<16xi32>], vector<16xf32>,
      %add3A_678 = arith.addf %add3A_631, %gather3A_677 : vector<16xf32>
      %add3A_679 = arith.constant 6 : i32
      %add3A_680 = vector.broadcast %add3A_679 : i32 to vector<16xi32>
      %add3A_681 = arith.addi %mul3A_648, %add3A_680 : vector<16xi32>
      %gather3A_682 = tpu.vector_load_idx %arg15[%add3A_681] : memref<1024xf32, #tpu.memory_space<vmem>>[vector<16xi32>], vector<16xf32>,
      %add3A_683 = arith.addf %add3A_636, %gather3A_682 : vector<16xf32>
      %add3A_684 = arith.constant 7 : i32
      %add3A_685 = vector.broadcast %add3A_684 : i32 to vector<16xi32>
      %add3A_686 = arith.addi %mul3A_648, %add3A_685 : vector<16xi32>
      %gather3A_687 = tpu.vector_load_idx %arg15[%add3A_686] : memref<1024xf32, #tpu.memory_space<vmem>>[vector<16xi32>], vector<16xf32>,
      %add3A_688 = arith.addf %add3A_641, %gather3A_687 : vector<16xf32>
      %add3A_689 = arith.constant 6 : i32
      %add3A_690 = vector.broadcast %add3A_689 : i32 to vector<16xi32>
      %add3A_691 = arith.addi %mul3A_390, %add3A_690 : vector<16xi32>
      %gather3A_692 = tpu.vector_load_idx %arg13[%add3A_691] : memref<5120xi32, #tpu.memory_space<vmem>>[vector<16xi32>], vector<16xi32>,
      %mul3A_693 = arith.constant 8 : i32
      %mul3A_694 = vector.broadcast %mul3A_693 : i32 to vector<16xi32>
      %mul3A_695 = arith.muli %gather3A_692, %mul3A_694 : vector<16xi32>
      %add3A_696 = arith.constant 0 : i32
      %add3A_697 = vector.broadcast %add3A_696 : i32 to vector<16xi32>
      %add3A_698 = arith.addi %mul3A_695, %add3A_697 : vector<16xi32>
      %gather3A_699 = tpu.vector_load_idx %arg15[%add3A_698] : memref<1024xf32, #tpu.memory_space<vmem>>[vector<16xi32>], vector<16xf32>,
      %add3A_700 = arith.addf %add3A_653, %gather3A_699 : vector<16xf32>
      %add3A_701 = arith.constant 1 : i32
      %add3A_702 = vector.broadcast %add3A_701 : i32 to vector<16xi32>
      %add3A_703 = arith.addi %mul3A_695, %add3A_702 : vector<16xi32>
      %gather3A_704 = tpu.vector_load_idx %arg15[%add3A_703] : memref<1024xf32, #tpu.memory_space<vmem>>[vector<16xi32>], vector<16xf32>,
      %add3A_705 = arith.addf %add3A_658, %gather3A_704 : vector<16xf32>
      %add3A_706 = arith.constant 2 : i32
      %add3A_707 = vector.broadcast %add3A_706 : i32 to vector<16xi32>
      %add3A_708 = arith.addi %mul3A_695, %add3A_707 : vector<16xi32>
      %gather3A_709 = tpu.vector_load_idx %arg15[%add3A_708] : memref<1024xf32, #tpu.memory_space<vmem>>[vector<16xi32>], vector<16xf32>,
      %add3A_710 = arith.addf %add3A_663, %gather3A_709 : vector<16xf32>
      %add3A_711 = arith.constant 3 : i32
      %add3A_712 = vector.broadcast %add3A_711 : i32 to vector<16xi32>
      %add3A_713 = arith.addi %mul3A_695, %add3A_712 : vector<16xi32>
      %gather3A_714 = tpu.vector_load_idx %arg15[%add3A_713] : memref<1024xf32, #tpu.memory_space<vmem>>[vector<16xi32>], vector<16xf32>,
      %add3A_715 = arith.addf %add3A_668, %gather3A_714 : vector<16xf32>
      %add3A_716 = arith.constant 4 : i32
      %add3A_717 = vector.broadcast %add3A_716 : i32 to vector<16xi32>
      %add3A_718 = arith.addi %mul3A_695, %add3A_717 : vector<16xi32>
      %gather3A_719 = tpu.vector_load_idx %arg15[%add3A_718] : memref<1024xf32, #tpu.memory_space<vmem>>[vector<16xi32>], vector<16xf32>,
      %add3A_720 = arith.addf %add3A_673, %gather3A_719 : vector<16xf32>
      %add3A_721 = arith.constant 5 : i32
      %add3A_722 = vector.broadcast %add3A_721 : i32 to vector<16xi32>
      %add3A_723 = arith.addi %mul3A_695, %add3A_722 : vector<16xi32>
      %gather3A_724 = tpu.vector_load_idx %arg15[%add3A_723] : memref<1024xf32, #tpu.memory_space<vmem>>[vector<16xi32>], vector<16xf32>,
      %add3A_725 = arith.addf %add3A_678, %gather3A_724 : vector<16xf32>
      %add3A_726 = arith.constant 6 : i32
      %add3A_727 = vector.broadcast %add3A_726 : i32 to vector<16xi32>
      %add3A_728 = arith.addi %mul3A_695, %add3A_727 : vector<16xi32>
      %gather3A_729 = tpu.vector_load_idx %arg15[%add3A_728] : memref<1024xf32, #tpu.memory_space<vmem>>[vector<16xi32>], vector<16xf32>,
      %add3A_730 = arith.addf %add3A_683, %gather3A_729 : vector<16xf32>
      %add3A_731 = arith.constant 7 : i32
      %add3A_732 = vector.broadcast %add3A_731 : i32 to vector<16xi32>
      %add3A_733 = arith.addi %mul3A_695, %add3A_732 : vector<16xi32>
      %gather3A_734 = tpu.vector_load_idx %arg15[%add3A_733] : memref<1024xf32, #tpu.memory_space<vmem>>[vector<16xi32>], vector<16xf32>,
      %add3A_735 = arith.addf %add3A_688, %gather3A_734 : vector<16xf32>
      %add3A_736 = arith.constant 7 : i32
      %add3A_737 = vector.broadcast %add3A_736 : i32 to vector<16xi32>
      %add3A_738 = arith.addi %mul3A_390, %add3A_737 : vector<16xi32>
      %gather3A_739 = tpu.vector_load_idx %arg13[%add3A_738] : memref<5120xi32, #tpu.memory_space<vmem>>[vector<16xi32>], vector<16xi32>,
      %mul3A_740 = arith.constant 8 : i32
      %mul3A_741 = vector.broadcast %mul3A_740 : i32 to vector<16xi32>
      %mul3A_742 = arith.muli %gather3A_739, %mul3A_741 : vector<16xi32>
      %add3A_743 = arith.constant 0 : i32
      %add3A_744 = vector.broadcast %add3A_743 : i32 to vector<16xi32>
      %add3A_745 = arith.addi %mul3A_742, %add3A_744 : vector<16xi32>
      %gather3A_746 = tpu.vector_load_idx %arg15[%add3A_745] : memref<1024xf32, #tpu.memory_space<vmem>>[vector<16xi32>], vector<16xf32>,
      %add3A_747 = arith.addf %add3A_700, %gather3A_746 : vector<16xf32>
      %add3A_748 = arith.constant 1 : i32
      %add3A_749 = vector.broadcast %add3A_748 : i32 to vector<16xi32>
      %add3A_750 = arith.addi %mul3A_742, %add3A_749 : vector<16xi32>
      %gather3A_751 = tpu.vector_load_idx %arg15[%add3A_750] : memref<1024xf32, #tpu.memory_space<vmem>>[vector<16xi32>], vector<16xf32>,
      %add3A_752 = arith.addf %add3A_705, %gather3A_751 : vector<16xf32>
      %add3A_753 = arith.constant 2 : i32
      %add3A_754 = vector.broadcast %add3A_753 : i32 to vector<16xi32>
      %add3A_755 = arith.addi %mul3A_742, %add3A_754 : vector<16xi32>
      %gather3A_756 = tpu.vector_load_idx %arg15[%add3A_755] : memref<1024xf32, #tpu.memory_space<vmem>>[vector<16xi32>], vector<16xf32>,
      %add3A_757 = arith.addf %add3A_710, %gather3A_756 : vector<16xf32>
      %add3A_758 = arith.constant 3 : i32
      %add3A_759 = vector.broadcast %add3A_758 : i32 to vector<16xi32>
      %add3A_760 = arith.addi %mul3A_742, %add3A_759 : vector<16xi32>
      %gather3A_761 = tpu.vector_load_idx %arg15[%add3A_760] : memref<1024xf32, #tpu.memory_space<vmem>>[vector<16xi32>], vector<16xf32>,
      %add3A_762 = arith.addf %add3A_715, %gather3A_761 : vector<16xf32>
      %add3A_763 = arith.constant 4 : i32
      %add3A_764 = vector.broadcast %add3A_763 : i32 to vector<16xi32>
      %add3A_765 = arith.addi %mul3A_742, %add3A_764 : vector<16xi32>
      %gather3A_766 = tpu.vector_load_idx %arg15[%add3A_765] : memref<1024xf32, #tpu.memory_space<vmem>>[vector<16xi32>], vector<16xf32>,
      %add3A_767 = arith.addf %add3A_720, %gather3A_766 : vector<16xf32>
      %add3A_768 = arith.constant 5 : i32
      %add3A_769 = vector.broadcast %add3A_768 : i32 to vector<16xi32>
      %add3A_770 = arith.addi %mul3A_742, %add3A_769 : vector<16xi32>
      %gather3A_771 = tpu.vector_load_idx %arg15[%add3A_770] : memref<1024xf32, #tpu.memory_space<vmem>>[vector<16xi32>], vector<16xf32>,
      %add3A_772 = arith.addf %add3A_725, %gather3A_771 : vector<16xf32>
      %add3A_773 = arith.constant 6 : i32
      %add3A_774 = vector.broadcast %add3A_773 : i32 to vector<16xi32>
      %add3A_775 = arith.addi %mul3A_742, %add3A_774 : vector<16xi32>
      %gather3A_776 = tpu.vector_load_idx %arg15[%add3A_775] : memref<1024xf32, #tpu.memory_space<vmem>>[vector<16xi32>], vector<16xf32>,
      %add3A_777 = arith.addf %add3A_730, %gather3A_776 : vector<16xf32>
      %add3A_778 = arith.constant 7 : i32
      %add3A_779 = vector.broadcast %add3A_778 : i32 to vector<16xi32>
      %add3A_780 = arith.addi %mul3A_742, %add3A_779 : vector<16xi32>
      %gather3A_781 = tpu.vector_load_idx %arg15[%add3A_780] : memref<1024xf32, #tpu.memory_space<vmem>>[vector<16xi32>], vector<16xf32>,
      %add3A_782 = arith.addf %add3A_735, %gather3A_781 : vector<16xf32>
      %add3A_783 = arith.constant 8 : i32
      %add3A_784 = vector.broadcast %add3A_783 : i32 to vector<16xi32>
      %add3A_785 = arith.addi %mul3A_390, %add3A_784 : vector<16xi32>
      %gather3A_786 = tpu.vector_load_idx %arg13[%add3A_785] : memref<5120xi32, #tpu.memory_space<vmem>>[vector<16xi32>], vector<16xi32>,
      %mul3A_787 = arith.constant 8 : i32
      %mul3A_788 = vector.broadcast %mul3A_787 : i32 to vector<16xi32>
      %mul3A_789 = arith.muli %gather3A_786, %mul3A_788 : vector<16xi32>
      %add3A_790 = arith.constant 0 : i32
      %add3A_791 = vector.broadcast %add3A_790 : i32 to vector<16xi32>
      %add3A_792 = arith.addi %mul3A_789, %add3A_791 : vector<16xi32>
      %gather3A_793 = tpu.vector_load_idx %arg15[%add3A_792] : memref<1024xf32, #tpu.memory_space<vmem>>[vector<16xi32>], vector<16xf32>,
      %add3A_794 = arith.addf %add3A_747, %gather3A_793 : vector<16xf32>
      %add3A_795 = arith.constant 1 : i32
      %add3A_796 = vector.broadcast %add3A_795 : i32 to vector<16xi32>
      %add3A_797 = arith.addi %mul3A_789, %add3A_796 : vector<16xi32>
      %gather3A_798 = tpu.vector_load_idx %arg15[%add3A_797] : memref<1024xf32, #tpu.memory_space<vmem>>[vector<16xi32>], vector<16xf32>,
      %add3A_799 = arith.addf %add3A_752, %gather3A_798 : vector<16xf32>
      %add3A_800 = arith.constant 2 : i32
      %add3A_801 = vector.broadcast %add3A_800 : i32 to vector<16xi32>
      %add3A_802 = arith.addi %mul3A_789, %add3A_801 : vector<16xi32>
      %gather3A_803 = tpu.vector_load_idx %arg15[%add3A_802] : memref<1024xf32, #tpu.memory_space<vmem>>[vector<16xi32>], vector<16xf32>,
      %add3A_804 = arith.addf %add3A_757, %gather3A_803 : vector<16xf32>
      %add3A_805 = arith.constant 3 : i32
      %add3A_806 = vector.broadcast %add3A_805 : i32 to vector<16xi32>
      %add3A_807 = arith.addi %mul3A_789, %add3A_806 : vector<16xi32>
      %gather3A_808 = tpu.vector_load_idx %arg15[%add3A_807] : memref<1024xf32, #tpu.memory_space<vmem>>[vector<16xi32>], vector<16xf32>,
      %add3A_809 = arith.addf %add3A_762, %gather3A_808 : vector<16xf32>
      %add3A_810 = arith.constant 4 : i32
      %add3A_811 = vector.broadcast %add3A_810 : i32 to vector<16xi32>
      %add3A_812 = arith.addi %mul3A_789, %add3A_811 : vector<16xi32>
      %gather3A_813 = tpu.vector_load_idx %arg15[%add3A_812] : memref<1024xf32, #tpu.memory_space<vmem>>[vector<16xi32>], vector<16xf32>,
      %add3A_814 = arith.addf %add3A_767, %gather3A_813 : vector<16xf32>
      %add3A_815 = arith.constant 5 : i32
      %add3A_816 = vector.broadcast %add3A_815 : i32 to vector<16xi32>
      %add3A_817 = arith.addi %mul3A_789, %add3A_816 : vector<16xi32>
      %gather3A_818 = tpu.vector_load_idx %arg15[%add3A_817] : memref<1024xf32, #tpu.memory_space<vmem>>[vector<16xi32>], vector<16xf32>,
      %add3A_819 = arith.addf %add3A_772, %gather3A_818 : vector<16xf32>
      %add3A_820 = arith.constant 6 : i32
      %add3A_821 = vector.broadcast %add3A_820 : i32 to vector<16xi32>
      %add3A_822 = arith.addi %mul3A_789, %add3A_821 : vector<16xi32>
      %gather3A_823 = tpu.vector_load_idx %arg15[%add3A_822] : memref<1024xf32, #tpu.memory_space<vmem>>[vector<16xi32>], vector<16xf32>,
      %add3A_824 = arith.addf %add3A_777, %gather3A_823 : vector<16xf32>
      %add3A_825 = arith.constant 7 : i32
      %add3A_826 = vector.broadcast %add3A_825 : i32 to vector<16xi32>
      %add3A_827 = arith.addi %mul3A_789, %add3A_826 : vector<16xi32>
      %gather3A_828 = tpu.vector_load_idx %arg15[%add3A_827] : memref<1024xf32, #tpu.memory_space<vmem>>[vector<16xi32>], vector<16xf32>,
      %add3A_829 = arith.addf %add3A_782, %gather3A_828 : vector<16xf32>
      %add3A_830 = arith.constant 9 : i32
      %add3A_831 = vector.broadcast %add3A_830 : i32 to vector<16xi32>
      %add3A_832 = arith.addi %mul3A_390, %add3A_831 : vector<16xi32>
      %gather3A_833 = tpu.vector_load_idx %arg13[%add3A_832] : memref<5120xi32, #tpu.memory_space<vmem>>[vector<16xi32>], vector<16xi32>,
      %mul3A_834 = arith.constant 8 : i32
      %mul3A_835 = vector.broadcast %mul3A_834 : i32 to vector<16xi32>
      %mul3A_836 = arith.muli %gather3A_833, %mul3A_835 : vector<16xi32>
      %add3A_837 = arith.constant 0 : i32
      %add3A_838 = vector.broadcast %add3A_837 : i32 to vector<16xi32>
      %add3A_839 = arith.addi %mul3A_836, %add3A_838 : vector<16xi32>
      %gather3A_840 = tpu.vector_load_idx %arg15[%add3A_839] : memref<1024xf32, #tpu.memory_space<vmem>>[vector<16xi32>], vector<16xf32>,
      %add3A_841 = arith.addf %add3A_794, %gather3A_840 : vector<16xf32>
      %add3A_842 = arith.constant 1 : i32
      %add3A_843 = vector.broadcast %add3A_842 : i32 to vector<16xi32>
      %add3A_844 = arith.addi %mul3A_836, %add3A_843 : vector<16xi32>
      %gather3A_845 = tpu.vector_load_idx %arg15[%add3A_844] : memref<1024xf32, #tpu.memory_space<vmem>>[vector<16xi32>], vector<16xf32>,
      %add3A_846 = arith.addf %add3A_799, %gather3A_845 : vector<16xf32>
      %add3A_847 = arith.constant 2 : i32
      %add3A_848 = vector.broadcast %add3A_847 : i32 to vector<16xi32>
      %add3A_849 = arith.addi %mul3A_836, %add3A_848 : vector<16xi32>
      %gather3A_850 = tpu.vector_load_idx %arg15[%add3A_849] : memref<1024xf32, #tpu.memory_space<vmem>>[vector<16xi32>], vector<16xf32>,
      %add3A_851 = arith.addf %add3A_804, %gather3A_850 : vector<16xf32>
      %add3A_852 = arith.constant 3 : i32
      %add3A_853 = vector.broadcast %add3A_852 : i32 to vector<16xi32>
      %add3A_854 = arith.addi %mul3A_836, %add3A_853 : vector<16xi32>
      %gather3A_855 = tpu.vector_load_idx %arg15[%add3A_854] : memref<1024xf32, #tpu.memory_space<vmem>>[vector<16xi32>], vector<16xf32>,
      %add3A_856 = arith.addf %add3A_809, %gather3A_855 : vector<16xf32>
      %add3A_857 = arith.constant 4 : i32
      %add3A_858 = vector.broadcast %add3A_857 : i32 to vector<16xi32>
      %add3A_859 = arith.addi %mul3A_836, %add3A_858 : vector<16xi32>
      %gather3A_860 = tpu.vector_load_idx %arg15[%add3A_859] : memref<1024xf32, #tpu.memory_space<vmem>>[vector<16xi32>], vector<16xf32>,
      %add3A_861 = arith.addf %add3A_814, %gather3A_860 : vector<16xf32>
      %add3A_862 = arith.constant 5 : i32
      %add3A_863 = vector.broadcast %add3A_862 : i32 to vector<16xi32>
      %add3A_864 = arith.addi %mul3A_836, %add3A_863 : vector<16xi32>
      %gather3A_865 = tpu.vector_load_idx %arg15[%add3A_864] : memref<1024xf32, #tpu.memory_space<vmem>>[vector<16xi32>], vector<16xf32>,
      %add3A_866 = arith.addf %add3A_819, %gather3A_865 : vector<16xf32>
      %add3A_867 = arith.constant 6 : i32
      %add3A_868 = vector.broadcast %add3A_867 : i32 to vector<16xi32>
      %add3A_869 = arith.addi %mul3A_836, %add3A_868 : vector<16xi32>
      %gather3A_870 = tpu.vector_load_idx %arg15[%add3A_869] : memref<1024xf32, #tpu.memory_space<vmem>>[vector<16xi32>], vector<16xf32>,
      %add3A_871 = arith.addf %add3A_824, %gather3A_870 : vector<16xf32>
      %add3A_872 = arith.constant 7 : i32
      %add3A_873 = vector.broadcast %add3A_872 : i32 to vector<16xi32>
      %add3A_874 = arith.addi %mul3A_836, %add3A_873 : vector<16xi32>
      %gather3A_875 = tpu.vector_load_idx %arg15[%add3A_874] : memref<1024xf32, #tpu.memory_space<vmem>>[vector<16xi32>], vector<16xf32>,
      %add3A_876 = arith.addf %add3A_829, %gather3A_875 : vector<16xf32>
      %broadcast_in_dim3A_877 = arith.constant 1.000000e-01 : f32
      %broadcast_in_dim3A_878 = vector.broadcast %broadcast_in_dim3A_877 : f32 to vector<16xf32>
      %add3A_879 = arith.constant 1 : i32
      %add3A_880 = vector.broadcast %add3A_879 : i32 to vector<16xi32>
      %add3A_881 = arith.addi %add3A_386, %add3A_880 : vector<16xi32>
      %mul3A_882 = arith.mulf %add3A_841, %broadcast_in_dim3A_878 : vector<16xf32>
      tpu.vector_store_idx %arg18[%add3A_881], %mul3A_882 : memref<4624xf32, #tpu.memory_space<vmem>>[vector<16xi32>], vector<16xf32>,
      %add3A_883 = arith.constant 2 : i32
      %add3A_884 = vector.broadcast %add3A_883 : i32 to vector<16xi32>
      %add3A_885 = arith.addi %add3A_386, %add3A_884 : vector<16xi32>
      %mul3A_886 = arith.mulf %add3A_846, %broadcast_in_dim3A_878 : vector<16xf32>
      tpu.vector_store_idx %arg18[%add3A_885], %mul3A_886 : memref<4624xf32, #tpu.memory_space<vmem>>[vector<16xi32>], vector<16xf32>,
      %add3A_887 = arith.constant 3 : i32
      %add3A_888 = vector.broadcast %add3A_887 : i32 to vector<16xi32>
      %add3A_889 = arith.addi %add3A_386, %add3A_888 : vector<16xi32>
      %mul3A_890 = arith.mulf %add3A_851, %broadcast_in_dim3A_878 : vector<16xf32>
      tpu.vector_store_idx %arg18[%add3A_889], %mul3A_890 : memref<4624xf32, #tpu.memory_space<vmem>>[vector<16xi32>], vector<16xf32>,
      %add3A_891 = arith.constant 4 : i32
      %add3A_892 = vector.broadcast %add3A_891 : i32 to vector<16xi32>
      %add3A_893 = arith.addi %add3A_386, %add3A_892 : vector<16xi32>
      %mul3A_894 = arith.mulf %add3A_856, %broadcast_in_dim3A_878 : vector<16xf32>
      tpu.vector_store_idx %arg18[%add3A_893], %mul3A_894 : memref<4624xf32, #tpu.memory_space<vmem>>[vector<16xi32>], vector<16xf32>,
      %add3A_895 = arith.constant 5 : i32
      %add3A_896 = vector.broadcast %add3A_895 : i32 to vector<16xi32>
      %add3A_897 = arith.addi %add3A_386, %add3A_896 : vector<16xi32>
      %mul3A_898 = arith.mulf %add3A_861, %broadcast_in_dim3A_878 : vector<16xf32>
      tpu.vector_store_idx %arg18[%add3A_897], %mul3A_898 : memref<4624xf32, #tpu.memory_space<vmem>>[vector<16xi32>], vector<16xf32>,
      %add3A_899 = arith.constant 6 : i32
      %add3A_900 = vector.broadcast %add3A_899 : i32 to vector<16xi32>
      %add3A_901 = arith.addi %add3A_386, %add3A_900 : vector<16xi32>
      %mul3A_902 = arith.mulf %add3A_866, %broadcast_in_dim3A_878 : vector<16xf32>
      tpu.vector_store_idx %arg18[%add3A_901], %mul3A_902 : memref<4624xf32, #tpu.memory_space<vmem>>[vector<16xi32>], vector<16xf32>,
      %add3A_903 = arith.constant 7 : i32
      %add3A_904 = vector.broadcast %add3A_903 : i32 to vector<16xi32>
      %add3A_905 = arith.addi %add3A_386, %add3A_904 : vector<16xi32>
      %mul3A_906 = arith.mulf %add3A_871, %broadcast_in_dim3A_878 : vector<16xf32>
      tpu.vector_store_idx %arg18[%add3A_905], %mul3A_906 : memref<4624xf32, #tpu.memory_space<vmem>>[vector<16xi32>], vector<16xf32>,
      %add3A_907 = arith.constant 8 : i32
      %add3A_908 = vector.broadcast %add3A_907 : i32 to vector<16xi32>
      %add3A_909 = arith.addi %add3A_386, %add3A_908 : vector<16xi32>
      %mul3A_910 = arith.mulf %add3A_876, %broadcast_in_dim3A_878 : vector<16xf32>
      tpu.vector_store_idx %arg18[%add3A_909], %mul3A_910 : memref<4624xf32, #tpu.memory_space<vmem>>[vector<16xi32>], vector<16xf32>,
    }
    %scan3A_12 = arith.constant 32 : i32
    %iota3A = tpu.iota {dimensions = array<i32: 0>} : vector<16xi32>
    %lt3A = arith.constant 7 : i32
    %lt3A_13 = vector.broadcast %lt3A : i32 to vector<16xi32>
    %lt3A_14 = arith.cmpi slt, %iota3A, %lt3A_13 : vector<16xi32>
    %iota3A_15 = tpu.iota {dimensions = array<i32: 0>} : vector<16xi32>
    %add3A_16 = arith.constant 9 : i32
    %add3A_17 = vector.broadcast %add3A_16 : i32 to vector<16xi32>
    %add3A_18 = arith.addi %iota3A_15, %add3A_17 : vector<16xi32>
    %and3A = arith.constant 15 : i32
    %and3A_19 = vector.broadcast %and3A : i32 to vector<16xi32>
    %and3A_20 = arith.andi %add3A_18, %and3A_19 : vector<16xi32>
    %dma_start3A = arith.constant 0 : i32
    %dma_start3A_21 = tpu.memref_slice %arg11[%dma_start3A] : memref<512xi32, #tpu.memory_space<vmem>> -> memref<128xi32, #tpu.memory_space<vmem>>
    %dma_start3A_22 = arith.constant 0 : i32
    %dma_start3A_23 = arith.constant 0 : i32
    %dma_start3A_24 = tpu.memref_slice %arg5[%dma_start3A_22, %dma_start3A_23] : memref<1000001x32xf32, #tpu.memory_space<hbm>> -> memref<1000001x32xf32, #tpu.memory_space<hbm>>
    tpu.enqueue_indirect_dma source(%dma_start3A_24 : memref<1000001x32xf32, #tpu.memory_space<hbm>>) target(%arg19 : memref<128x32xf32, #tpu.memory_space<vmem>>) offsets(%dma_start3A_21 : memref<128xi32, #tpu.memory_space<vmem>>) semaphore(%arg22 : memref<!tpu.dma_semaphore, #tpu.memory_space<semaphore_mem>>)
    %dma_wait3A = arith.constant 0 : i32
    %dma_wait3A_25 = tpu.memref_slice %arg11[%dma_wait3A] : memref<512xi32, #tpu.memory_space<vmem>> -> memref<128xi32, #tpu.memory_space<vmem>>
    %dma_wait3A_26 = arith.constant 0 : i32
    %dma_wait3A_27 = arith.constant 0 : i32
    %dma_wait3A_28 = tpu.memref_slice %arg5[%dma_wait3A_26, %dma_wait3A_27] : memref<1000001x32xf32, #tpu.memory_space<hbm>> -> memref<1000001x32xf32, #tpu.memory_space<hbm>>
    tpu.wait_indirect_dma semaphore(%arg22 : memref<!tpu.dma_semaphore, #tpu.memory_space<semaphore_mem>>) src(%dma_wait3A_28 : memref<1000001x32xf32, #tpu.memory_space<hbm>>) dst(%arg19 : memref<128x32xf32, #tpu.memory_space<vmem>>)
    %dma_start3A_29 = arith.constant 128 : i32
    %dma_start3A_30 = tpu.memref_slice %arg11[%dma_start3A_29] : memref<512xi32, #tpu.memory_space<vmem>> -> memref<128xi32, #tpu.memory_space<vmem>>
    %dma_start3A_31 = arith.constant 0 : i32
    %dma_start3A_32 = arith.constant 0 : i32
    %dma_start3A_33 = tpu.memref_slice %arg5[%dma_start3A_31, %dma_start3A_32] : memref<1000001x32xf32, #tpu.memory_space<hbm>> -> memref<1000001x32xf32, #tpu.memory_space<hbm>>
    tpu.enqueue_indirect_dma source(%dma_start3A_33 : memref<1000001x32xf32, #tpu.memory_space<hbm>>) target(%arg20 : memref<128x32xf32, #tpu.memory_space<vmem>>) offsets(%dma_start3A_30 : memref<128xi32, #tpu.memory_space<vmem>>) semaphore(%arg22 : memref<!tpu.dma_semaphore, #tpu.memory_space<semaphore_mem>>)
    %scan3A_34 = arith.constant 0 : i32
    %scan3A_35 = arith.constant 0 : i32
    %scan3A_36 = arith.constant 128 : i32
    %scan3A_37 = arith.addi %scan3A_35, %scan3A_36 : i32
    %scan3A_38 = arith.constant 1 : i32
    scf.for %scan3A_155 = %scan3A_35 to %scan3A_37 step %scan3A_38  : i32 {
      %add3A_156 = arith.constant 0 : i32
      %add3A_157 = arith.addi %add3A_156, %scan3A_155 : i32
      %get3A_158 = arith.index_cast %scan3A_155 : i32 to index
      %get3A_159 = arith.constant 0 : index
      %get3A_160 = tpu.vector_load %arg19[%get3A_158, %get3A_159] {strides = array<i32>} : memref<128x32xf32, #tpu.memory_space<vmem>>, vector<16xf32>,
      %swap3A = arith.index_cast %add3A_157 : i32 to index
      %swap3A_161 = arith.constant 0 : index
      %swap3A_162 = tpu.vector_load %arg21[%swap3A, %swap3A_161] {strides = array<i32>} : memref<512x73xf32, #tpu.memory_space<vmem>>, vector<16xf32>,
      tpu.vector_store %arg21[%swap3A, %swap3A_161], %get3A_160 {strides = array<i32>} : memref<512x73xf32, #tpu.memory_space<vmem>>, vector<16xf32>,
      %get3A_163 = arith.index_cast %scan3A_155 : i32 to index
      %get3A_164 = arith.constant 16 : index
      %get3A_165 = tpu.vector_load %arg19[%get3A_163, %get3A_164] {strides = array<i32>} : memref<128x32xf32, #tpu.memory_space<vmem>>, vector<16xf32>,
      %swap3A_166 = arith.index_cast %add3A_157 : i32 to index
      %swap3A_167 = arith.constant 16 : index
      %swap3A_168 = tpu.vector_load %arg21[%swap3A_166, %swap3A_167] {strides = array<i32>} : memref<512x73xf32, #tpu.memory_space<vmem>>, vector<16xf32>,
      tpu.vector_store %arg21[%swap3A_166, %swap3A_167], %get3A_165 {strides = array<i32>} : memref<512x73xf32, #tpu.memory_space<vmem>>, vector<16xf32>,
    }
    %scan3A_39 = arith.constant 128 : i32
    %dma_wait3A_40 = arith.constant 128 : i32
    %dma_wait3A_41 = tpu.memref_slice %arg11[%dma_wait3A_40] : memref<512xi32, #tpu.memory_space<vmem>> -> memref<128xi32, #tpu.memory_space<vmem>>
    %dma_wait3A_42 = arith.constant 0 : i32
    %dma_wait3A_43 = arith.constant 0 : i32
    %dma_wait3A_44 = tpu.memref_slice %arg5[%dma_wait3A_42, %dma_wait3A_43] : memref<1000001x32xf32, #tpu.memory_space<hbm>> -> memref<1000001x32xf32, #tpu.memory_space<hbm>>
    tpu.wait_indirect_dma semaphore(%arg22 : memref<!tpu.dma_semaphore, #tpu.memory_space<semaphore_mem>>) src(%dma_wait3A_44 : memref<1000001x32xf32, #tpu.memory_space<hbm>>) dst(%arg20 : memref<128x32xf32, #tpu.memory_space<vmem>>)
    %dma_start3A_45 = arith.constant 256 : i32
    %dma_start3A_46 = tpu.memref_slice %arg11[%dma_start3A_45] : memref<512xi32, #tpu.memory_space<vmem>> -> memref<128xi32, #tpu.memory_space<vmem>>
    %dma_start3A_47 = arith.constant 0 : i32
    %dma_start3A_48 = arith.constant 0 : i32
    %dma_start3A_49 = tpu.memref_slice %arg5[%dma_start3A_47, %dma_start3A_48] : memref<1000001x32xf32, #tpu.memory_space<hbm>> -> memref<1000001x32xf32, #tpu.memory_space<hbm>>
    tpu.enqueue_indirect_dma source(%dma_start3A_49 : memref<1000001x32xf32, #tpu.memory_space<hbm>>) target(%arg19 : memref<128x32xf32, #tpu.memory_space<vmem>>) offsets(%dma_start3A_46 : memref<128xi32, #tpu.memory_space<vmem>>) semaphore(%arg22 : memref<!tpu.dma_semaphore, #tpu.memory_space<semaphore_mem>>)
    %scan3A_50 = arith.constant 0 : i32
    %scan3A_51 = arith.constant 0 : i32
    %scan3A_52 = arith.constant 128 : i32
    %scan3A_53 = arith.addi %scan3A_51, %scan3A_52 : i32
    %scan3A_54 = arith.constant 1 : i32
    scf.for %scan3A_155 = %scan3A_51 to %scan3A_53 step %scan3A_54  : i32 {
      %add3A_156 = arith.constant 128 : i32
      %add3A_157 = arith.addi %add3A_156, %scan3A_155 : i32
      %get3A_158 = arith.index_cast %scan3A_155 : i32 to index
      %get3A_159 = arith.constant 0 : index
      %get3A_160 = tpu.vector_load %arg20[%get3A_158, %get3A_159] {strides = array<i32>} : memref<128x32xf32, #tpu.memory_space<vmem>>, vector<16xf32>,
      %swap3A = arith.index_cast %add3A_157 : i32 to index
      %swap3A_161 = arith.constant 0 : index
      %swap3A_162 = tpu.vector_load %arg21[%swap3A, %swap3A_161] {strides = array<i32>} : memref<512x73xf32, #tpu.memory_space<vmem>>, vector<16xf32>,
      tpu.vector_store %arg21[%swap3A, %swap3A_161], %get3A_160 {strides = array<i32>} : memref<512x73xf32, #tpu.memory_space<vmem>>, vector<16xf32>,
      %get3A_163 = arith.index_cast %scan3A_155 : i32 to index
      %get3A_164 = arith.constant 16 : index
      %get3A_165 = tpu.vector_load %arg20[%get3A_163, %get3A_164] {strides = array<i32>} : memref<128x32xf32, #tpu.memory_space<vmem>>, vector<16xf32>,
      %swap3A_166 = arith.index_cast %add3A_157 : i32 to index
      %swap3A_167 = arith.constant 16 : index
      %swap3A_168 = tpu.vector_load %arg21[%swap3A_166, %swap3A_167] {strides = array<i32>} : memref<512x73xf32, #tpu.memory_space<vmem>>, vector<16xf32>,
      tpu.vector_store %arg21[%swap3A_166, %swap3A_167], %get3A_165 {strides = array<i32>} : memref<512x73xf32, #tpu.memory_space<vmem>>, vector<16xf32>,
    }
    %scan3A_55 = arith.constant 128 : i32
    %dma_wait3A_56 = arith.constant 256 : i32
    %dma_wait3A_57 = tpu.memref_slice %arg11[%dma_wait3A_56] : memref<512xi32, #tpu.memory_space<vmem>> -> memref<128xi32, #tpu.memory_space<vmem>>
    %dma_wait3A_58 = arith.constant 0 : i32
    %dma_wait3A_59 = arith.constant 0 : i32
    %dma_wait3A_60 = tpu.memref_slice %arg5[%dma_wait3A_58, %dma_wait3A_59] : memref<1000001x32xf32, #tpu.memory_space<hbm>> -> memref<1000001x32xf32, #tpu.memory_space<hbm>>
    tpu.wait_indirect_dma semaphore(%arg22 : memref<!tpu.dma_semaphore, #tpu.memory_space<semaphore_mem>>) src(%dma_wait3A_60 : memref<1000001x32xf32, #tpu.memory_space<hbm>>) dst(%arg19 : memref<128x32xf32, #tpu.memory_space<vmem>>)
    %dma_start3A_61 = arith.constant 384 : i32
    %dma_start3A_62 = tpu.memref_slice %arg11[%dma_start3A_61] : memref<512xi32, #tpu.memory_space<vmem>> -> memref<128xi32, #tpu.memory_space<vmem>>
    %dma_start3A_63 = arith.constant 0 : i32
    %dma_start3A_64 = arith.constant 0 : i32
    %dma_start3A_65 = tpu.memref_slice %arg5[%dma_start3A_63, %dma_start3A_64] : memref<1000001x32xf32, #tpu.memory_space<hbm>> -> memref<1000001x32xf32, #tpu.memory_space<hbm>>
    tpu.enqueue_indirect_dma source(%dma_start3A_65 : memref<1000001x32xf32, #tpu.memory_space<hbm>>) target(%arg20 : memref<128x32xf32, #tpu.memory_space<vmem>>) offsets(%dma_start3A_62 : memref<128xi32, #tpu.memory_space<vmem>>) semaphore(%arg22 : memref<!tpu.dma_semaphore, #tpu.memory_space<semaphore_mem>>)
    %scan3A_66 = arith.constant 0 : i32
    %scan3A_67 = arith.constant 0 : i32
    %scan3A_68 = arith.constant 128 : i32
    %scan3A_69 = arith.addi %scan3A_67, %scan3A_68 : i32
    %scan3A_70 = arith.constant 1 : i32
    scf.for %scan3A_155 = %scan3A_67 to %scan3A_69 step %scan3A_70  : i32 {
      %add3A_156 = arith.constant 256 : i32
      %add3A_157 = arith.addi %add3A_156, %scan3A_155 : i32
      %get3A_158 = arith.index_cast %scan3A_155 : i32 to index
      %get3A_159 = arith.constant 0 : index
      %get3A_160 = tpu.vector_load %arg19[%get3A_158, %get3A_159] {strides = array<i32>} : memref<128x32xf32, #tpu.memory_space<vmem>>, vector<16xf32>,
      %swap3A = arith.index_cast %add3A_157 : i32 to index
      %swap3A_161 = arith.constant 0 : index
      %swap3A_162 = tpu.vector_load %arg21[%swap3A, %swap3A_161] {strides = array<i32>} : memref<512x73xf32, #tpu.memory_space<vmem>>, vector<16xf32>,
      tpu.vector_store %arg21[%swap3A, %swap3A_161], %get3A_160 {strides = array<i32>} : memref<512x73xf32, #tpu.memory_space<vmem>>, vector<16xf32>,
      %get3A_163 = arith.index_cast %scan3A_155 : i32 to index
      %get3A_164 = arith.constant 16 : index
      %get3A_165 = tpu.vector_load %arg19[%get3A_163, %get3A_164] {strides = array<i32>} : memref<128x32xf32, #tpu.memory_space<vmem>>, vector<16xf32>,
      %swap3A_166 = arith.index_cast %add3A_157 : i32 to index
      %swap3A_167 = arith.constant 16 : index
      %swap3A_168 = tpu.vector_load %arg21[%swap3A_166, %swap3A_167] {strides = array<i32>} : memref<512x73xf32, #tpu.memory_space<vmem>>, vector<16xf32>,
      tpu.vector_store %arg21[%swap3A_166, %swap3A_167], %get3A_165 {strides = array<i32>} : memref<512x73xf32, #tpu.memory_space<vmem>>, vector<16xf32>,
    }
    %scan3A_71 = arith.constant 128 : i32
    %dma_wait3A_72 = arith.constant 384 : i32
    %dma_wait3A_73 = tpu.memref_slice %arg11[%dma_wait3A_72] : memref<512xi32, #tpu.memory_space<vmem>> -> memref<128xi32, #tpu.memory_space<vmem>>
    %dma_wait3A_74 = arith.constant 0 : i32
    %dma_wait3A_75 = arith.constant 0 : i32
    %dma_wait3A_76 = tpu.memref_slice %arg5[%dma_wait3A_74, %dma_wait3A_75] : memref<1000001x32xf32, #tpu.memory_space<hbm>> -> memref<1000001x32xf32, #tpu.memory_space<hbm>>
    tpu.wait_indirect_dma semaphore(%arg22 : memref<!tpu.dma_semaphore, #tpu.memory_space<semaphore_mem>>) src(%dma_wait3A_76 : memref<1000001x32xf32, #tpu.memory_space<hbm>>) dst(%arg20 : memref<128x32xf32, #tpu.memory_space<vmem>>)
    %dma_start3A_77 = arith.constant 0 : i32
    %dma_start3A_78 = tpu.memref_slice %arg14[%dma_start3A_77] : memref<512xi32, #tpu.memory_space<vmem>> -> memref<128xi32, #tpu.memory_space<vmem>>
    %dma_start3A_79 = arith.constant 0 : i32
    %dma_start3A_80 = arith.constant 0 : i32
    %dma_start3A_81 = tpu.memref_slice %arg6[%dma_start3A_79, %dma_start3A_80] : memref<1001x32xf32, #tpu.memory_space<hbm>> -> memref<1001x32xf32, #tpu.memory_space<hbm>>
    tpu.enqueue_indirect_dma source(%dma_start3A_81 : memref<1001x32xf32, #tpu.memory_space<hbm>>) target(%arg19 : memref<128x32xf32, #tpu.memory_space<vmem>>) offsets(%dma_start3A_78 : memref<128xi32, #tpu.memory_space<vmem>>) semaphore(%arg22 : memref<!tpu.dma_semaphore, #tpu.memory_space<semaphore_mem>>)
    %scan3A_82 = arith.constant 0 : i32
    %scan3A_83 = arith.constant 0 : i32
    %scan3A_84 = arith.constant 128 : i32
    %scan3A_85 = arith.addi %scan3A_83, %scan3A_84 : i32
    %scan3A_86 = arith.constant 1 : i32
    scf.for %scan3A_155 = %scan3A_83 to %scan3A_85 step %scan3A_86  : i32 {
      %add3A_156 = arith.constant 384 : i32
      %add3A_157 = arith.addi %add3A_156, %scan3A_155 : i32
      %get3A_158 = arith.index_cast %scan3A_155 : i32 to index
      %get3A_159 = arith.constant 0 : index
      %get3A_160 = tpu.vector_load %arg20[%get3A_158, %get3A_159] {strides = array<i32>} : memref<128x32xf32, #tpu.memory_space<vmem>>, vector<16xf32>,
      %swap3A = arith.index_cast %add3A_157 : i32 to index
      %swap3A_161 = arith.constant 0 : index
      %swap3A_162 = tpu.vector_load %arg21[%swap3A, %swap3A_161] {strides = array<i32>} : memref<512x73xf32, #tpu.memory_space<vmem>>, vector<16xf32>,
      tpu.vector_store %arg21[%swap3A, %swap3A_161], %get3A_160 {strides = array<i32>} : memref<512x73xf32, #tpu.memory_space<vmem>>, vector<16xf32>,
      %get3A_163 = arith.index_cast %scan3A_155 : i32 to index
      %get3A_164 = arith.constant 16 : index
      %get3A_165 = tpu.vector_load %arg20[%get3A_163, %get3A_164] {strides = array<i32>} : memref<128x32xf32, #tpu.memory_space<vmem>>, vector<16xf32>,
      %swap3A_166 = arith.index_cast %add3A_157 : i32 to index
      %swap3A_167 = arith.constant 16 : index
      %swap3A_168 = tpu.vector_load %arg21[%swap3A_166, %swap3A_167] {strides = array<i32>} : memref<512x73xf32, #tpu.memory_space<vmem>>, vector<16xf32>,
      tpu.vector_store %arg21[%swap3A_166, %swap3A_167], %get3A_165 {strides = array<i32>} : memref<512x73xf32, #tpu.memory_space<vmem>>, vector<16xf32>,
    }
    %scan3A_87 = arith.constant 128 : i32
    %dma_wait3A_88 = arith.constant 0 : i32
    %dma_wait3A_89 = tpu.memref_slice %arg14[%dma_wait3A_88] : memref<512xi32, #tpu.memory_space<vmem>> -> memref<128xi32, #tpu.memory_space<vmem>>
    %dma_wait3A_90 = arith.constant 0 : i32
    %dma_wait3A_91 = arith.constant 0 : i32
    %dma_wait3A_92 = tpu.memref_slice %arg6[%dma_wait3A_90, %dma_wait3A_91] : memref<1001x32xf32, #tpu.memory_space<hbm>> -> memref<1001x32xf32, #tpu.memory_space<hbm>>
    tpu.wait_indirect_dma semaphore(%arg22 : memref<!tpu.dma_semaphore, #tpu.memory_space<semaphore_mem>>) src(%dma_wait3A_92 : memref<1001x32xf32, #tpu.memory_space<hbm>>) dst(%arg19 : memref<128x32xf32, #tpu.memory_space<vmem>>)
    %dma_start3A_93 = arith.constant 128 : i32
    %dma_start3A_94 = tpu.memref_slice %arg14[%dma_start3A_93] : memref<512xi32, #tpu.memory_space<vmem>> -> memref<128xi32, #tpu.memory_space<vmem>>
    %dma_start3A_95 = arith.constant 0 : i32
    %dma_start3A_96 = arith.constant 0 : i32
    %dma_start3A_97 = tpu.memref_slice %arg6[%dma_start3A_95, %dma_start3A_96] : memref<1001x32xf32, #tpu.memory_space<hbm>> -> memref<1001x32xf32, #tpu.memory_space<hbm>>
    tpu.enqueue_indirect_dma source(%dma_start3A_97 : memref<1001x32xf32, #tpu.memory_space<hbm>>) target(%arg20 : memref<128x32xf32, #tpu.memory_space<vmem>>) offsets(%dma_start3A_94 : memref<128xi32, #tpu.memory_space<vmem>>) semaphore(%arg22 : memref<!tpu.dma_semaphore, #tpu.memory_space<semaphore_mem>>)
    %scan3A_98 = arith.constant 0 : i32
    %scan3A_99 = arith.constant 0 : i32
    %scan3A_100 = arith.constant 128 : i32
    %scan3A_101 = arith.addi %scan3A_99, %scan3A_100 : i32
    %scan3A_102 = arith.constant 1 : i32
    scf.for %scan3A_155 = %scan3A_99 to %scan3A_101 step %scan3A_102  : i32 {
      %add3A_156 = arith.constant 0 : i32
      %add3A_157 = arith.addi %add3A_156, %scan3A_155 : i32
      %get3A_158 = arith.index_cast %scan3A_155 : i32 to index
      %get3A_159 = arith.constant 0 : index
      %get3A_160 = tpu.vector_load %arg19[%get3A_158, %get3A_159] {strides = array<i32>} : memref<128x32xf32, #tpu.memory_space<vmem>>, vector<16xf32>,
      %swap3A = arith.index_cast %add3A_157 : i32 to index
      %swap3A_161 = arith.constant 32 : index
      %swap3A_162 = tpu.vector_load %arg21[%swap3A, %swap3A_161] {strides = array<i32>} : memref<512x73xf32, #tpu.memory_space<vmem>>, vector<16xf32>,
      tpu.vector_store %arg21[%swap3A, %swap3A_161], %get3A_160 {strides = array<i32>} : memref<512x73xf32, #tpu.memory_space<vmem>>, vector<16xf32>,
      %get3A_163 = arith.index_cast %scan3A_155 : i32 to index
      %get3A_164 = arith.constant 16 : index
      %get3A_165 = tpu.vector_load %arg19[%get3A_163, %get3A_164] {strides = array<i32>} : memref<128x32xf32, #tpu.memory_space<vmem>>, vector<16xf32>,
      %swap3A_166 = arith.index_cast %add3A_157 : i32 to index
      %swap3A_167 = arith.constant 48 : index
      %swap3A_168 = tpu.vector_load %arg21[%swap3A_166, %swap3A_167] {strides = array<i32>} : memref<512x73xf32, #tpu.memory_space<vmem>>, vector<16xf32>,
      tpu.vector_store %arg21[%swap3A_166, %swap3A_167], %get3A_165 {strides = array<i32>} : memref<512x73xf32, #tpu.memory_space<vmem>>, vector<16xf32>,
      %lt3A_169 = arith.constant 0 : i32
      %lt3A_170 = vector.broadcast %lt3A_169 : i32 to vector<16xi32>
      %lt3A_171 = arith.cmpi slt, %and3A_20, %lt3A_170 : vector<16xi32>
      %add3A_172 = arith.constant 16 : i32
      %add3A_173 = vector.broadcast %add3A_172 : i32 to vector<16xi32>
      %add3A_174 = arith.addi %and3A_20, %add3A_173 : vector<16xi32>
      %select_n3A = arith.select %lt3A_171, %add3A_174, %and3A_20 : vector<16xi1>, vector<16xi32>
      %broadcast_in_dim3A = vector.shape_cast %select_n3A : vector<16xi32> to vector<16x1xi32>
      %gather3A = vector.shape_cast %broadcast_in_dim3A : vector<16x1xi32> to vector<16xi32>
      %gather3A_175 = tpu.dynamic_gather %get3A_165[%gather3A] in [0] : vector<16xf32>, vector<16xi32> -> vector<16xf32>
      %mul3A_176 = arith.constant 9 : i32
      %mul3A_177 = arith.muli %add3A_157, %mul3A_176 : i32
      %add3A_178 = arith.constant 1 : i32
      %add3A_179 = arith.addi %mul3A_177, %add3A_178 : i32
      %get3A_180 = arith.index_cast %add3A_179 : i32 to index
      %get3A_181 = tpu.vector_load %arg18[%get3A_180] {strides = array<i32>} : memref<4624xf32, #tpu.memory_space<vmem>>, vector<16xf32>,
      %select_n3A_182 = arith.select %lt3A_14, %gather3A_175, %get3A_181 : vector<16xi1>, vector<16xf32>
      %swap3A_183 = arith.index_cast %add3A_157 : i32 to index
      %swap3A_184 = arith.constant 57 : index
      %swap3A_185 = tpu.vector_load %arg21[%swap3A_183, %swap3A_184] {strides = array<i32>} : memref<512x73xf32, #tpu.memory_space<vmem>>, vector<16xf32>,
      tpu.vector_store %arg21[%swap3A_183, %swap3A_184], %select_n3A_182 {strides = array<i32>} : memref<512x73xf32, #tpu.memory_space<vmem>>, vector<16xf32>,
    }
    %scan3A_103 = arith.constant 128 : i32
    %dma_wait3A_104 = arith.constant 128 : i32
    %dma_wait3A_105 = tpu.memref_slice %arg14[%dma_wait3A_104] : memref<512xi32, #tpu.memory_space<vmem>> -> memref<128xi32, #tpu.memory_space<vmem>>
    %dma_wait3A_106 = arith.constant 0 : i32
    %dma_wait3A_107 = arith.constant 0 : i32
    %dma_wait3A_108 = tpu.memref_slice %arg6[%dma_wait3A_106, %dma_wait3A_107] : memref<1001x32xf32, #tpu.memory_space<hbm>> -> memref<1001x32xf32, #tpu.memory_space<hbm>>
    tpu.wait_indirect_dma semaphore(%arg22 : memref<!tpu.dma_semaphore, #tpu.memory_space<semaphore_mem>>) src(%dma_wait3A_108 : memref<1001x32xf32, #tpu.memory_space<hbm>>) dst(%arg20 : memref<128x32xf32, #tpu.memory_space<vmem>>)
    %dma_start3A_109 = arith.constant 256 : i32
    %dma_start3A_110 = tpu.memref_slice %arg14[%dma_start3A_109] : memref<512xi32, #tpu.memory_space<vmem>> -> memref<128xi32, #tpu.memory_space<vmem>>
    %dma_start3A_111 = arith.constant 0 : i32
    %dma_start3A_112 = arith.constant 0 : i32
    %dma_start3A_113 = tpu.memref_slice %arg6[%dma_start3A_111, %dma_start3A_112] : memref<1001x32xf32, #tpu.memory_space<hbm>> -> memref<1001x32xf32, #tpu.memory_space<hbm>>
    tpu.enqueue_indirect_dma source(%dma_start3A_113 : memref<1001x32xf32, #tpu.memory_space<hbm>>) target(%arg19 : memref<128x32xf32, #tpu.memory_space<vmem>>) offsets(%dma_start3A_110 : memref<128xi32, #tpu.memory_space<vmem>>) semaphore(%arg22 : memref<!tpu.dma_semaphore, #tpu.memory_space<semaphore_mem>>)
    %scan3A_114 = arith.constant 0 : i32
    %scan3A_115 = arith.constant 0 : i32
    %scan3A_116 = arith.constant 128 : i32
    %scan3A_117 = arith.addi %scan3A_115, %scan3A_116 : i32
    %scan3A_118 = arith.constant 1 : i32
    scf.for %scan3A_155 = %scan3A_115 to %scan3A_117 step %scan3A_118  : i32 {
      %add3A_156 = arith.constant 128 : i32
      %add3A_157 = arith.addi %add3A_156, %scan3A_155 : i32
      %get3A_158 = arith.index_cast %scan3A_155 : i32 to index
      %get3A_159 = arith.constant 0 : index
      %get3A_160 = tpu.vector_load %arg20[%get3A_158, %get3A_159] {strides = array<i32>} : memref<128x32xf32, #tpu.memory_space<vmem>>, vector<16xf32>,
      %swap3A = arith.index_cast %add3A_157 : i32 to index
      %swap3A_161 = arith.constant 32 : index
      %swap3A_162 = tpu.vector_load %arg21[%swap3A, %swap3A_161] {strides = array<i32>} : memref<512x73xf32, #tpu.memory_space<vmem>>, vector<16xf32>,
      tpu.vector_store %arg21[%swap3A, %swap3A_161], %get3A_160 {strides = array<i32>} : memref<512x73xf32, #tpu.memory_space<vmem>>, vector<16xf32>,
      %get3A_163 = arith.index_cast %scan3A_155 : i32 to index
      %get3A_164 = arith.constant 16 : index
      %get3A_165 = tpu.vector_load %arg20[%get3A_163, %get3A_164] {strides = array<i32>} : memref<128x32xf32, #tpu.memory_space<vmem>>, vector<16xf32>,
      %swap3A_166 = arith.index_cast %add3A_157 : i32 to index
      %swap3A_167 = arith.constant 48 : index
      %swap3A_168 = tpu.vector_load %arg21[%swap3A_166, %swap3A_167] {strides = array<i32>} : memref<512x73xf32, #tpu.memory_space<vmem>>, vector<16xf32>,
      tpu.vector_store %arg21[%swap3A_166, %swap3A_167], %get3A_165 {strides = array<i32>} : memref<512x73xf32, #tpu.memory_space<vmem>>, vector<16xf32>,
      %lt3A_169 = arith.constant 0 : i32
      %lt3A_170 = vector.broadcast %lt3A_169 : i32 to vector<16xi32>
      %lt3A_171 = arith.cmpi slt, %and3A_20, %lt3A_170 : vector<16xi32>
      %add3A_172 = arith.constant 16 : i32
      %add3A_173 = vector.broadcast %add3A_172 : i32 to vector<16xi32>
      %add3A_174 = arith.addi %and3A_20, %add3A_173 : vector<16xi32>
      %select_n3A = arith.select %lt3A_171, %add3A_174, %and3A_20 : vector<16xi1>, vector<16xi32>
      %broadcast_in_dim3A = vector.shape_cast %select_n3A : vector<16xi32> to vector<16x1xi32>
      %gather3A = vector.shape_cast %broadcast_in_dim3A : vector<16x1xi32> to vector<16xi32>
      %gather3A_175 = tpu.dynamic_gather %get3A_165[%gather3A] in [0] : vector<16xf32>, vector<16xi32> -> vector<16xf32>
      %mul3A_176 = arith.constant 9 : i32
      %mul3A_177 = arith.muli %add3A_157, %mul3A_176 : i32
      %add3A_178 = arith.constant 1 : i32
      %add3A_179 = arith.addi %mul3A_177, %add3A_178 : i32
      %get3A_180 = arith.index_cast %add3A_179 : i32 to index
      %get3A_181 = tpu.vector_load %arg18[%get3A_180] {strides = array<i32>} : memref<4624xf32, #tpu.memory_space<vmem>>, vector<16xf32>,
      %select_n3A_182 = arith.select %lt3A_14, %gather3A_175, %get3A_181 : vector<16xi1>, vector<16xf32>
      %swap3A_183 = arith.index_cast %add3A_157 : i32 to index
      %swap3A_184 = arith.constant 57 : index
      %swap3A_185 = tpu.vector_load %arg21[%swap3A_183, %swap3A_184] {strides = array<i32>} : memref<512x73xf32, #tpu.memory_space<vmem>>, vector<16xf32>,
      tpu.vector_store %arg21[%swap3A_183, %swap3A_184], %select_n3A_182 {strides = array<i32>} : memref<512x73xf32, #tpu.memory_space<vmem>>, vector<16xf32>,
    }
    %scan3A_119 = arith.constant 128 : i32
    %dma_wait3A_120 = arith.constant 256 : i32
    %dma_wait3A_121 = tpu.memref_slice %arg14[%dma_wait3A_120] : memref<512xi32, #tpu.memory_space<vmem>> -> memref<128xi32, #tpu.memory_space<vmem>>
    %dma_wait3A_122 = arith.constant 0 : i32
    %dma_wait3A_123 = arith.constant 0 : i32
    %dma_wait3A_124 = tpu.memref_slice %arg6[%dma_wait3A_122, %dma_wait3A_123] : memref<1001x32xf32, #tpu.memory_space<hbm>> -> memref<1001x32xf32, #tpu.memory_space<hbm>>
    tpu.wait_indirect_dma semaphore(%arg22 : memref<!tpu.dma_semaphore, #tpu.memory_space<semaphore_mem>>) src(%dma_wait3A_124 : memref<1001x32xf32, #tpu.memory_space<hbm>>) dst(%arg19 : memref<128x32xf32, #tpu.memory_space<vmem>>)
    %dma_start3A_125 = arith.constant 384 : i32
    %dma_start3A_126 = tpu.memref_slice %arg14[%dma_start3A_125] : memref<512xi32, #tpu.memory_space<vmem>> -> memref<128xi32, #tpu.memory_space<vmem>>
    %dma_start3A_127 = arith.constant 0 : i32
    %dma_start3A_128 = arith.constant 0 : i32
    %dma_start3A_129 = tpu.memref_slice %arg6[%dma_start3A_127, %dma_start3A_128] : memref<1001x32xf32, #tpu.memory_space<hbm>> -> memref<1001x32xf32, #tpu.memory_space<hbm>>
    tpu.enqueue_indirect_dma source(%dma_start3A_129 : memref<1001x32xf32, #tpu.memory_space<hbm>>) target(%arg20 : memref<128x32xf32, #tpu.memory_space<vmem>>) offsets(%dma_start3A_126 : memref<128xi32, #tpu.memory_space<vmem>>) semaphore(%arg22 : memref<!tpu.dma_semaphore, #tpu.memory_space<semaphore_mem>>)
    %scan3A_130 = arith.constant 0 : i32
    %scan3A_131 = arith.constant 0 : i32
    %scan3A_132 = arith.constant 128 : i32
    %scan3A_133 = arith.addi %scan3A_131, %scan3A_132 : i32
    %scan3A_134 = arith.constant 1 : i32
    scf.for %scan3A_155 = %scan3A_131 to %scan3A_133 step %scan3A_134  : i32 {
      %add3A_156 = arith.constant 256 : i32
      %add3A_157 = arith.addi %add3A_156, %scan3A_155 : i32
      %get3A_158 = arith.index_cast %scan3A_155 : i32 to index
      %get3A_159 = arith.constant 0 : index
      %get3A_160 = tpu.vector_load %arg19[%get3A_158, %get3A_159] {strides = array<i32>} : memref<128x32xf32, #tpu.memory_space<vmem>>, vector<16xf32>,
      %swap3A = arith.index_cast %add3A_157 : i32 to index
      %swap3A_161 = arith.constant 32 : index
      %swap3A_162 = tpu.vector_load %arg21[%swap3A, %swap3A_161] {strides = array<i32>} : memref<512x73xf32, #tpu.memory_space<vmem>>, vector<16xf32>,
      tpu.vector_store %arg21[%swap3A, %swap3A_161], %get3A_160 {strides = array<i32>} : memref<512x73xf32, #tpu.memory_space<vmem>>, vector<16xf32>,
      %get3A_163 = arith.index_cast %scan3A_155 : i32 to index
      %get3A_164 = arith.constant 16 : index
      %get3A_165 = tpu.vector_load %arg19[%get3A_163, %get3A_164] {strides = array<i32>} : memref<128x32xf32, #tpu.memory_space<vmem>>, vector<16xf32>,
      %swap3A_166 = arith.index_cast %add3A_157 : i32 to index
      %swap3A_167 = arith.constant 48 : index
      %swap3A_168 = tpu.vector_load %arg21[%swap3A_166, %swap3A_167] {strides = array<i32>} : memref<512x73xf32, #tpu.memory_space<vmem>>, vector<16xf32>,
      tpu.vector_store %arg21[%swap3A_166, %swap3A_167], %get3A_165 {strides = array<i32>} : memref<512x73xf32, #tpu.memory_space<vmem>>, vector<16xf32>,
      %lt3A_169 = arith.constant 0 : i32
      %lt3A_170 = vector.broadcast %lt3A_169 : i32 to vector<16xi32>
      %lt3A_171 = arith.cmpi slt, %and3A_20, %lt3A_170 : vector<16xi32>
      %add3A_172 = arith.constant 16 : i32
      %add3A_173 = vector.broadcast %add3A_172 : i32 to vector<16xi32>
      %add3A_174 = arith.addi %and3A_20, %add3A_173 : vector<16xi32>
      %select_n3A = arith.select %lt3A_171, %add3A_174, %and3A_20 : vector<16xi1>, vector<16xi32>
      %broadcast_in_dim3A = vector.shape_cast %select_n3A : vector<16xi32> to vector<16x1xi32>
      %gather3A = vector.shape_cast %broadcast_in_dim3A : vector<16x1xi32> to vector<16xi32>
      %gather3A_175 = tpu.dynamic_gather %get3A_165[%gather3A] in [0] : vector<16xf32>, vector<16xi32> -> vector<16xf32>
      %mul3A_176 = arith.constant 9 : i32
      %mul3A_177 = arith.muli %add3A_157, %mul3A_176 : i32
      %add3A_178 = arith.constant 1 : i32
      %add3A_179 = arith.addi %mul3A_177, %add3A_178 : i32
      %get3A_180 = arith.index_cast %add3A_179 : i32 to index
      %get3A_181 = tpu.vector_load %arg18[%get3A_180] {strides = array<i32>} : memref<4624xf32, #tpu.memory_space<vmem>>, vector<16xf32>,
      %select_n3A_182 = arith.select %lt3A_14, %gather3A_175, %get3A_181 : vector<16xi1>, vector<16xf32>
      %swap3A_183 = arith.index_cast %add3A_157 : i32 to index
      %swap3A_184 = arith.constant 57 : index
      %swap3A_185 = tpu.vector_load %arg21[%swap3A_183, %swap3A_184] {strides = array<i32>} : memref<512x73xf32, #tpu.memory_space<vmem>>, vector<16xf32>,
      tpu.vector_store %arg21[%swap3A_183, %swap3A_184], %select_n3A_182 {strides = array<i32>} : memref<512x73xf32, #tpu.memory_space<vmem>>, vector<16xf32>,
    }
    %scan3A_135 = arith.constant 128 : i32
    %dma_wait3A_136 = arith.constant 384 : i32
    %dma_wait3A_137 = tpu.memref_slice %arg14[%dma_wait3A_136] : memref<512xi32, #tpu.memory_space<vmem>> -> memref<128xi32, #tpu.memory_space<vmem>>
    %dma_wait3A_138 = arith.constant 0 : i32
    %dma_wait3A_139 = arith.constant 0 : i32
    %dma_wait3A_140 = tpu.memref_slice %arg6[%dma_wait3A_138, %dma_wait3A_139] : memref<1001x32xf32, #tpu.memory_space<hbm>> -> memref<1001x32xf32, #tpu.memory_space<hbm>>
    tpu.wait_indirect_dma semaphore(%arg22 : memref<!tpu.dma_semaphore, #tpu.memory_space<semaphore_mem>>) src(%dma_wait3A_140 : memref<1001x32xf32, #tpu.memory_space<hbm>>) dst(%arg20 : memref<128x32xf32, #tpu.memory_space<vmem>>)
    %scan3A_141 = arith.constant 0 : i32
    %scan3A_142 = arith.constant 0 : i32
    %scan3A_143 = arith.constant 128 : i32
    %scan3A_144 = arith.addi %scan3A_142, %scan3A_143 : i32
    %scan3A_145 = arith.constant 1 : i32
    scf.for %scan3A_155 = %scan3A_142 to %scan3A_144 step %scan3A_145  : i32 {
      %add3A_156 = arith.constant 384 : i32
      %add3A_157 = arith.addi %add3A_156, %scan3A_155 : i32
      %get3A_158 = arith.index_cast %scan3A_155 : i32 to index
      %get3A_159 = arith.constant 0 : index
      %get3A_160 = tpu.vector_load %arg20[%get3A_158, %get3A_159] {strides = array<i32>} : memref<128x32xf32, #tpu.memory_space<vmem>>, vector<16xf32>,
      %swap3A = arith.index_cast %add3A_157 : i32 to index
      %swap3A_161 = arith.constant 32 : index
      %swap3A_162 = tpu.vector_load %arg21[%swap3A, %swap3A_161] {strides = array<i32>} : memref<512x73xf32, #tpu.memory_space<vmem>>, vector<16xf32>,
      tpu.vector_store %arg21[%swap3A, %swap3A_161], %get3A_160 {strides = array<i32>} : memref<512x73xf32, #tpu.memory_space<vmem>>, vector<16xf32>,
      %get3A_163 = arith.index_cast %scan3A_155 : i32 to index
      %get3A_164 = arith.constant 16 : index
      %get3A_165 = tpu.vector_load %arg20[%get3A_163, %get3A_164] {strides = array<i32>} : memref<128x32xf32, #tpu.memory_space<vmem>>, vector<16xf32>,
      %swap3A_166 = arith.index_cast %add3A_157 : i32 to index
      %swap3A_167 = arith.constant 48 : index
      %swap3A_168 = tpu.vector_load %arg21[%swap3A_166, %swap3A_167] {strides = array<i32>} : memref<512x73xf32, #tpu.memory_space<vmem>>, vector<16xf32>,
      tpu.vector_store %arg21[%swap3A_166, %swap3A_167], %get3A_165 {strides = array<i32>} : memref<512x73xf32, #tpu.memory_space<vmem>>, vector<16xf32>,
      %lt3A_169 = arith.constant 0 : i32
      %lt3A_170 = vector.broadcast %lt3A_169 : i32 to vector<16xi32>
      %lt3A_171 = arith.cmpi slt, %and3A_20, %lt3A_170 : vector<16xi32>
      %add3A_172 = arith.constant 16 : i32
      %add3A_173 = vector.broadcast %add3A_172 : i32 to vector<16xi32>
      %add3A_174 = arith.addi %and3A_20, %add3A_173 : vector<16xi32>
      %select_n3A = arith.select %lt3A_171, %add3A_174, %and3A_20 : vector<16xi1>, vector<16xi32>
      %broadcast_in_dim3A = vector.shape_cast %select_n3A : vector<16xi32> to vector<16x1xi32>
      %gather3A = vector.shape_cast %broadcast_in_dim3A : vector<16x1xi32> to vector<16xi32>
      %gather3A_175 = tpu.dynamic_gather %get3A_165[%gather3A] in [0] : vector<16xf32>, vector<16xi32> -> vector<16xf32>
      %mul3A_176 = arith.constant 9 : i32
      %mul3A_177 = arith.muli %add3A_157, %mul3A_176 : i32
      %add3A_178 = arith.constant 1 : i32
      %add3A_179 = arith.addi %mul3A_177, %add3A_178 : i32
      %get3A_180 = arith.index_cast %add3A_179 : i32 to index
      %get3A_181 = tpu.vector_load %arg18[%get3A_180] {strides = array<i32>} : memref<4624xf32, #tpu.memory_space<vmem>>, vector<16xf32>,
      %select_n3A_182 = arith.select %lt3A_14, %gather3A_175, %get3A_181 : vector<16xi1>, vector<16xf32>
      %swap3A_183 = arith.index_cast %add3A_157 : i32 to index
      %swap3A_184 = arith.constant 57 : index
      %swap3A_185 = tpu.vector_load %arg21[%swap3A_183, %swap3A_184] {strides = array<i32>} : memref<512x73xf32, #tpu.memory_space<vmem>>, vector<16xf32>,
      tpu.vector_store %arg21[%swap3A_183, %swap3A_184], %select_n3A_182 {strides = array<i32>} : memref<512x73xf32, #tpu.memory_space<vmem>>, vector<16xf32>,
    }
    %scan3A_146 = arith.constant 128 : i32
    %dma_start3A_147 = arith.constant 0 : i32
    %dma_start3A_148 = tpu.memref_slice %arg10[%mul3A_2, %dma_start3A_147] : memref<16384x73xf32, #tpu.memory_space<hbm>> -> memref<512x73xf32, #tpu.memory_space<hbm>>
    %dma_start3A_149 = arith.constant 0 : i32
    %dma_start3A_150 = tpu.memref_slice %arg10[%mul3A_2, %dma_start3A_149] : memref<16384x73xf32, #tpu.memory_space<hbm>> -> memref<512x73xf32, #tpu.memory_space<hbm>>
    tpu.enqueue_dma source(%arg21 : memref<512x73xf32, #tpu.memory_space<vmem>>) target(%dma_start3A_150 : memref<512x73xf32, #tpu.memory_space<hbm>>) target_semaphore(%arg23 : memref<!tpu.dma_semaphore, #tpu.memory_space<semaphore_mem>>)
    %dma_wait3A_151 = arith.constant 0 : i32
    %dma_wait3A_152 = tpu.memref_slice %arg10[%mul3A_2, %dma_wait3A_151] : memref<16384x73xf32, #tpu.memory_space<hbm>> -> memref<512x73xf32, #tpu.memory_space<hbm>>
    %dma_wait3A_153 = arith.constant 0 : i32
    %dma_wait3A_154 = tpu.memref_slice %arg10[%mul3A_2, %dma_wait3A_153] : memref<16384x73xf32, #tpu.memory_space<hbm>> -> memref<512x73xf32, #tpu.memory_space<hbm>>
    tpu.wait_dma2 semaphore(%arg23 : memref<!tpu.dma_semaphore, #tpu.memory_space<semaphore_mem>>) src(%arg21 : memref<512x73xf32, #tpu.memory_space<vmem>>) dst(%dma_wait3A_154 : memref<512x73xf32, #tpu.memory_space<hbm>>)
    return
  }
}

</mosaic_0001>

<sc_bundles>
// kernel: kernel.3.cloned.1.call-start
scs
__scs_entry_jumppad:
0x0: {  	(pc) =	sbr.rel $0x88, $3  }
0x1: {  	(tag) =	ssettag $0x0;
	lr =	simm.s32 $0x1  }
0x2: {  	[smem:$0x3F98] =	sst lr;
	_ =	strace $0xD0000000  }
0x3: {  	_ = 	snop  }
0x4: {  	_ = 	snop  }
0x5: {  	_ = 	snop  }
0x6: {  	_ = 	snop  }
0x7: {  	_ = 	snop  }
__scs_overlays_trampoline_lowered:
0x8: {  	[smem:$0x3FA7] =	sst s0  }
0x9: {  	[smem:$0x3FA8] =	sst s1  }
0xa: {  	[smem:$0x3FA9] =	sst s2  }
0xb: {  	[smem:$0x3FAA] =	sst s3  }
0xc: {  	[smem:$0x3FAB] =	sst s4  }
0xd: {  	[smem:$0x3FAC] =	sst s5  }
0xe: {  	[smem:$0x3FAD] =	sst s6  }
0xf: {  	[smem:$0x3FAE] =	sst s7  }
0x10: {  	[smem:$0x3FAF] =	sst s8  }
0x11: {  	[smem:$0x3FB0] =	sst s9;
	s0 =	simm.s32 @!p0 $0x0  }
0x12: {  	s1 =	sld [smem:$0x3F96];
	s0 =	simm.s32 @p0 $0x1  }
0x13: {  	[smem:$0x3FB1] =	sst s0;
	s0 =	simm.s32 @!p1 $0x0  }
0x14: {  	s2 =	sld [smem:$0x3F95];
	s0 =	simm.s32 @p1 $0x1  }
0x15: {  	[smem:$0x3FB2] =	sst s0;
	s0 =	simm.s32 @!p2 $0x0  }
0x16: {  	s3 =	sld [smem:$0x3FDB];
	s0 =	simm.s32 @p2 $0x1  }
0x17: {  	s4 =	simm.s32 $0x1BF5;
	[smem:$0x3FB4] =	sst s0  }
0x18: {  	s0 =	sld [smem:$0x3F97];
	_ =	swait.ge [sflag:s4], $0x0  }
0x19: {  	s7 =	sld [smem:$0x3F98]  }
0x1a: {  	s8 =	sadd.s32 $0xFFFFE003, lr  }
0x1b: {  	s9 =	sadd.s32 $0xFFFFFEF7, lr;
	s5 =	simm.s32 $0xFFFFFFFF;
	p2 =	slt.u32 s8, $0xFFFFF086  }
0x1c: {  	p1 =	slt.u32 s9, $0xF7A;
	s5 =	simm.s32 @!p2 $0x0  }
0x1d: {  	s5 =	simm.s32 @p1 $0x1;
	p0 =	seq.s32 s7, s2  }
0x1e: {  	s7 =	smul.u32 @!p0 $0xF7A, s2;
	p2 =	seq.s32 @!p0 s5, $0x0  }
0x1f: {  	s9 =	smul.u32 $0xF7A, s1;
	s8 =	simm.s32 @!p0 $0x1BF5;
	p2 =	por !p2, p0  }
0x20: {  	[sflag:s8] =	ssyncset.s32 @!p0 $0xFFFFF086;
	s6 =	sadd.s32 @!p0 s3, s7;
	s7 =	simm.s32 @!p0 $0x108  }
0x21: {  	s3 =	sadd.s32 s3, s9;
	s6 =	sadd.s32 @!p0 $0x88, s6;
	s7 =	simm.s32 @p2 $0x1082  }
0x22: {  	[simem:s7], [sflag:s8] =	dma.local @!p0 [hbm:s6], $0xF7A  }
0x23: {  	s9 =	sor.u32 $0xD0000000, s2;
	s6 =	simm.s32 $0x108;
	_ =	swait.ge @!p0 [sflag:s8], $0x0  }
0x24: {  	s3 =	sadd.s32 $0x88, s3;
	s6 =	simm.s32 @!p1 $0x1082;
	[sflag:s4] =	ssyncset.s32 $0xFFFFF086  }
0x25: {  	[simem:s6], [sflag:s4] =	dma.local [hbm:s3], $0xF7A  }
0x26: {  	[smem:$0x3F98] =	sst s1;
	(tag) =	ssettag s2;
	_ =	strace s9  }
0x27: {  	s1 =	sld [smem:$0x3FA8]  }
0x28: {  	s2 =	sld [smem:$0x3FA9]  }
0x29: {  	s4 =	sld [smem:$0x3FAB]  }
0x2a: {  	p0 =	seq.s32 s5, $0x0;
	s5 =	sld [smem:$0x3FAC]  }
0x2b: {  	s6 =	sld [smem:$0x3FAD]  }
0x2c: {  	s7 =	sld [smem:$0x3FAE]  }
0x2d: {  	s3 =	simm.s32 $0x108;
	s8 =	sld [smem:$0x3FAF]  }
0x2e: {  	s3 =	simm.s32 @!p0 $0x1082;
	s9 =	sld [smem:$0x3FB0]  }
0x2f: {  	lr =	sadd.s32 s0, s3;
	s0 =	sld [smem:$0x3FA7]  }
0x30: {  	s3 =	sld [smem:$0x3FAA]  }
0x31: {  	[smem:$0x3FB3] =	sst s10  }
0x32: {  	s10 =	sld [smem:$0x3FB1];
	_ =	sdelay $0x3  }
0x33: {  	p0 =	seq.s32 s10, $0x1;
	s10 =	sld [smem:$0x3FB3];
	_ =	sdelay $0x3  }
0x34: {  	[smem:$0x3FB3] =	sst s10  }
0x35: {  	s10 =	sld [smem:$0x3FB2];
	_ =	sdelay $0x3  }
0x36: {  	p1 =	seq.s32 s10, $0x1;
	s10 =	sld [smem:$0x3FB3];
	_ =	sdelay $0x3  }
0x37: {  	[smem:$0x3FB3] =	sst s10  }
0x38: {  	s10 =	sld [smem:$0x3FB4]  }
0x39: {  	_ = 	snop;
	(pc) =	sbr.ind lr, $3  }
0x3a: {  	_ = 	snop  }
0x3b: {  	_ = 	snop  }
0x3c: {  	p2 =	seq.s32 s10, $0x1;
	s10 =	sld [smem:$0x3FB3]  }
0x3d: {  	_ =	shalt  }
0x3e: {  	_ =	shalt  }
0x3f: {  	_ =	shalt  }
0x40: {  	_ =	shalt  }
0x41: {  	_ =	shalt  }
0x42: {  	_ =	shalt  }
0x43: {  	_ =	shalt  }
0x44: {  	_ =	shalt  }
0x45: {  	_ =	shalt  }
0x46: {  	_ =	shalt  }
0x47: {  	_ =	shalt  }
0x48: {  	_ =	shalt  }
0x49: {  	_ =	shalt  }
0x4a: {  	_ =	shalt  }
0x4b: {  	_ =	shalt  }
0x4c: {  	_ =	shalt  }
0x4d: {  	_ =	shalt  }
0x4e: {  	_ =	shalt  }
0x4f: {  	_ =	shalt  }
0x50: {  	_ =	shalt  }
0x51: {  	_ =	shalt  }
0x52: {  	_ =	shalt  }
0x53: {  	_ =	shalt  }
0x54: {  	_ =	shalt  }
0x55: {  	_ =	shalt  }
0x56: {  	_ =	shalt  }
0x57: {  	_ =	shalt  }
0x58: {  	_ =	shalt  }
0x59: {  	_ =	shalt  }
0x5a: {  	_ =	shalt  }
0x5b: {  	_ =	shalt  }
0x5c: {  	_ =	shalt  }
0x5d: {  	_ =	shalt  }
0x5e: {  	_ =	shalt  }
0x5f: {  	_ =	shalt  }
0x60: {  	_ =	shalt  }
0x61: {  	_ =	shalt  }
0x62: {  	_ =	shalt  }
0x63: {  	_ =	shalt  }
0x64: {  	_ =	shalt  }
0x65: {  	_ =	shalt  }
0x66: {  	_ =	shalt  }
0x67: {  	_ =	shalt  }
0x68: {  	_ =	shalt  }
0x69: {  	_ =	shalt  }
0x6a: {  	_ =	shalt  }
0x6b: {  	_ =	shalt  }
0x6c: {  	_ =	shalt  }
0x6d: {  	_ =	shalt  }
0x6e: {  	_ =	shalt  }
0x6f: {  	_ =	shalt  }
0x70: {  	_ =	shalt  }
0x71: {  	_ =	shalt  }
0x72: {  	_ =	shalt  }
0x73: {  	_ =	shalt  }
0x74: {  	_ =	shalt  }
0x75: {  	_ =	shalt  }
0x76: {  	_ =	shalt  }
0x77: {  	_ =	shalt  }
0x78: {  	_ =	shalt  }
0x79: {  	_ =	shalt  }
0x7a: {  	_ =	shalt  }
0x7b: {  	_ =	shalt  }
0x7c: {  	_ =	shalt  }
0x7d: {  	_ =	shalt  }
0x7e: {  	_ =	shalt  }
0x7f: {  	_ =	shalt  }
0x80: {  	_ =	shalt  }
0x81: {  	_ =	shalt  }
0x82: {  	_ =	shalt  }
0x83: {  	_ =	shalt  }
0x84: {  	_ =	shalt  }
0x85: {  	_ =	shalt  }
0x86: {  	_ =	shalt  }
0x87: {  	_ =	shalt  }
.Lfunc_end0:
.L_simem_size_0:
called_computation_lowered:
.L_overlay_start_0:
0x88: {  	s2 =	sld [smem:$0x3FD9]  }
0x89: {  	s3 =	sld [smem:$0x3FFE];
	_ =	sdelay $0x1  }
0x8a: {  	s1 =	srdreg.scid  }
0x8b: {  	s0 =	sand.u32 $0x1, s1  }
0x8c: {  	s17 =	sshll.u32 s0, $0xA;
	s2 =	sadd.s32 s3, s2  }
0x8d: {  	s2 =	sadd.s32 s2, s17  }
0x8e: {  	[smem:$0x3FBF] =	sst s2  }
0x8f: {  	_ = 	snop  }
0x90: {  	s2 =	sld [smem:$0x3FC9]  }
0x91: {  	s18 =	sld [smem:$0x3FC8]  }
0x92: {  	s4 =	sld [smem:$0x3FC3]  }
0x93: {  	s5 =	sld [smem:$0x3FD0];
	(tm) =	ssettm $0x1  }
0x94: {  	s6 =	sld [smem:$0x3FFB];
	_ =	sdelay $0x3  }
0x95: {  	_ =	strace s6  }
0x96: {  	s6 =	sld [smem:$0x3FFC];
	_ =	sdelay $0x3  }
0x97: {  	_ =	strace s6  }
0x98: {  	s6 =	sld [smem:$0x3FFD];
	_ =	sdelay $0x3  }
0x99: {  	_ =	strace s6  }
0x9a: {  	_ =	strace $0x8FFFFFFF  }
0x9b: {  	s19 =	sld [smem:$0x3FDB];
	_ =	sdelay $0x1  }
0x9c: {  	s7 =	simm.s32 $_scs_section_size  }
0x9d: {  	s8 =	simm.s32 $_size__tile_overlayer_lowered;
	s9 =	simm.s32 $_tile_overlayer_lowered  }
0x9e: {  	s22 =	simm.s32 $0x1BFF;
	s21 =	sshll.u32 s9, $0x1;
	s6 =	sadd.s32 s7, s19  }
0x9f: {  	s10 =	simm.s32 $0x0;
	s20 =	sshll.u32 s8, $0x1;
	s8 =	sadd.s32 s21, s6  }
0xa0: {  	[timem:s10], [sflag:s22] =	dma.local [hbm:s8], s20  }
0xa1: {  	_ =	swait.ge [sflag:s22], s20  }
0xa2: {  	s7 =	ssub.s32 $0x0, s20;
	[sflag:s22] =	ssyncset.done $0x0  }
0xa3: {  	[sflag:s22] =	ssyncadd.s32 s7;
	_ =	sdelay $0x1  }
0xa4: {  	s23 =	simm.s32 $0x1B8B  }
0xa5: {  	_ =	swait.ge [sflag:s23], $0x1  }
0xa6: {  	[sflag:s23] =	ssyncset.done $0x0  }
0xa7: {  	s25 =	simm.s32 $0x1B8E;
	s24 =	sld [smem:$0x3FFE];
	[sflag:s23] =	ssyncadd.s32 $0xFFFFFFFF  }
0xa8: {  	s26 =	simm.s32 $execute0_lowered;
	[smem:$0x3FD2] =	sst s25  }
0xa9: {  	s8 =	sshll.u32 s26, $0x1;
	_ =	strace $0x80000046;
	[dreg:$0x1] =	wrdreg $0xFFFFFFFF  }
0xaa: {  	s28 =	simm.s32 $_size_execute0_lowered;
	s6 =	sadd.s32 s6, s8;
	[dreg:$0x0] =	wrdreg $0x0  }
0xab: {  	s8 =	sshll.u32 s28, $0x1;
	[dreg:$0x2] =	wrdreg s6  }
0xac: {  	[dreg:$0x3] =	wrdreg s8  }
0xad: {  	[dreg:$0x4] =	wrdreg $0xC0  }
0xae: {  	_ =	task [dreg:s10], $0x5FFFF  }
0xaf: {  	[dreg:$0x1] =	wrdreg $0xFFFFFFFF  }
0xb0: {  	[dreg:$0x0] =	wrdreg $0x60  }
0xb1: {  	[dreg:$0x2] =	wrdreg s2  }
0xb2: {  	[dreg:$0x3] =	wrdreg s18  }
0xb3: {  	[dreg:$0x4] =	wrdreg s24  }
0xb4: {  	[dreg:$0x5] =	wrdreg s4  }
0xb5: {  	[dreg:$0x6] =	wrdreg s5  }
0xb6: {  	[dreg:$0x7] =	wrdreg $0x9  }
0xb7: {  	_ =	task.clear_ibuf [dreg:s10], $0x8FFFF;
	_ =	strace $0x90000046  }
0xb8: {  	s29 =	simm.s32 $0x9;
	_ =	strace $0x80000048  }
0xb9: {  	_ =	swait.ge [sflag:s29], $0x1  }
0xba: {  	[sflag:s29] =	ssyncadd.s32 $0xFFFFFFFF  }
0xbb: {  	_ =	strace $0x90000048  }
0xbc: {  	_ =	sfence  }
0xbd: {  	s30 =	sld [smem:$0x0];
	_ =	sdelay $0x2  }
0xbe: {  	s31 =	sshll.u32 s1, $0xD;
	s1 =	sshrl.u32 s1, $0x2  }
0xbf: {  	s3 =	sand.u32 $0x4000, s31;
	s1 =	sadd.s32 s1, s30  }
0xc0: {  	s0 =	sor.u32 s3, s0;
	s1 =	sshll.u32 s1, $0x11  }
0xc1: {  	s0 =	sor.u32 s1, s0  }
0xc2: {  	s0 =	sadd.s32 $0x8F2B, s0  }
0xc3: {  	[sflag:s0] =	ssyncadd.remote.s32 $0x1  }
0xc4: {  	_ =	sfence.sel $0xFFFF  }
0xc5: {  	[dreg:$0x0] =	wrdreg $0xFFFFFFFF;
	(pc) =	sbr.abs _section_cstart, $3  }
0xc6: {  	[dreg:$0x1] =	wrdreg $0xFFFFFFFF  }
0xc7: {  	_ =	task.clear_ibuf [dreg:s10], $0x2FFFF;
	_ =	strace $0x9FFFFFFF  }
0xc8: {  	(tm) =	ssettm $0x7FFFFFFF  }
0xc9: {  	_ =	shalt  }
tec
execute0_lowered:
.L_overlay_start_1:
0x0: {  	(tag) =	ssettag $0x1  }
0x1: {  	s0 =	rddreg [dreg:$0x0]  }
0x2: {  	s1 =	rddreg [dreg:$0x1]  }
0x3: {  	s2 =	rddreg [dreg:$0x2]  }
0x4: {  	s3 =	srdreg.scid;
	s4 =	stileid.u32  }
0x5: {  	s11 =	rddreg [dreg:$0x4];
	s13 =	simm.s32 $0x400;
	s14 =	simm.s32 $0x3  }
0x6: {  	s15 =	simm.s32 $0x1A00;
	s16 =	simm.s32 $0x1E00;
	s18 =	simm.s32 $0x2208  }
0x7: {  	s19 =	simm.s32 $0x80;
	s20 =	simm.s32 $0x3418;
	s21 =	simm.s32 $0x1  }
0x8: {  	s22 =	simm.s32 $0x4418;
	s28 =	simm.s32 $0x1900;
	s29 =	simm.s32 $0x1980  }
0x9: {  	s30 =	simm.s32 $0x5418;
	s31 =	simm.s32 $0x2;
	s6 =	sand.u32 $0x1, s3  }
0xa: {  	s23 =	sshll.u32 s4, $0x1;
	s3 =	simm.s32 $0x0;
	s4 =	sadd.s32 $0xF43200, s2  }
0xb: {  	v0 =	vimm.s32 $0x87654321;
	s5 =	sadd.s32 $0x5C00, s2;
	s7 =	sadd.s32 $0x6E00, s2;
	s8 =	sor.u32 s6, s23  }
0xc: {  	v1 =	vimm.s32 $0xFEDCBA9;
	v0 =	vunpack.c.l.s4.s8 v0;
	[smem:$0x7FF] =	sst s3;
	s9 =	ssub.s32 $0x2, s6;
	s6 =	sadd.s32 $0x6C00, s2  }
0xd: {  	v1 =	vunpack.c.l.s4.s8 v1;
	s24 =	smul.u32 $0x280, s8;
	_ =	strace $0x80000047;
	s26 =	sshll.u32 s8, $0x6  }
0xe: {  	s25 =	sshrl.u32 s9, $0x1;
	s12 =	smul.u32 $0x1400, s8;
	v3 =	vunpack.c.0.s8.s32 v0;
	v0 =	vimm.s32 $0x1F4;
	s8 =	sadd.s32 s0, s26  }
0xf: {  	v4 =	vunpack.c.0.s8.s32 v1;
	s10 =	sadd.s32 s24, s2;
	s2 =	ssub.s32 s9, s25;
	s9 =	sadd.s32 s1, s26  }
0x10: {  	v2 =	vlaneseq.u32;
	s11 =	sadd.s32 s11, s12;
	s25 =	simm.s32 $0x1800;
	s26 =	simm.s32 $0x1880  }
0x11: {  	vm0 =	vmmov $0x7f;
	v1 =	vimm.s32 $0x0;
	v3 =	vcombine.low v4, v3;
	s1 =	simm.s32 $0x0;
	s10 =	sadd.s32 $0xC00, s10;
	s12 =	smax.u32 s2, $0x1  }
.LBB2_1:
0x12: {  	[tilespmem:s3], [sflag:$0x3] =	stream.linear.gather [hbm4b:s8+s3], $0x200, $0x38;
	[tilespmem:$0xF418] =	vst v63  }
0x13: {  	_ =	swait.ge [sflag:s14], $0x200  }
0x14: {  	[sflag:s14] =	ssyncset.done $0x0  }
0x15: {  	s0 =	simm.s32 $0x200;
	[sflag:s14] =	ssyncadd.s32 $0xFFFFFE00  }
0x16: {  	[tilespmem:s0], [sflag:$0x3] =	stream.linear.gather [hbm4b:s9+s3], $0x200, $0x38;
	[tilespmem:$0xF418] =	vst v63  }
0x17: {  	_ =	swait.ge [sflag:s14], $0x200  }
0x18: {  	[sflag:s14] =	ssyncset.done $0x0  }
0x19: {  	[sflag:s14] =	ssyncadd.s32 $0xFFFFFE00  }
0x1a: {  	[tilespmem:s13], [sflag:$0x3] =	stream.linear.gather [hbm4b:s10+s3], $0x1400, $0x38;
	[tilespmem:$0xF418] =	vst v63  }
0x1b: {  	_ =	swait.ge [sflag:s14], $0x1400  }
0x1c: {  	[sflag:s14] =	ssyncset.done $0x0  }
0x1d: {  	[sflag:s14] =	ssyncadd.s32 $0xFFFFEC00  }
0x1e: {  	[tilespmem:s15], [sflag:$0x3] =	stream.linear.gather [hbm4b:s6+s3], $0x400, $0x38;
	[tilespmem:$0xF418] =	vst v63  }
0x1f: {  	_ =	swait.ge [sflag:s14], $0x400  }
0x20: {  	[sflag:s14] =	ssyncset.done $0x0  }
0x21: {  	[sflag:s14] =	ssyncadd.s32 $0xFFFFFC00  }
0x22: {  	s2 =	rddreg [dreg:$0x3]  }
0x23: {  	[tilespmem:s16], [sflag:$0x3] =	stream.linear.gather [hbm4b:s2+s3], $0x3E8, $0x38;
	[tilespmem:$0xF418] =	vst v63  }
0x24: {  	_ =	swait.ge [sflag:s14], $0x3E8  }
0x25: {  	[sflag:s14] =	ssyncset.done $0x0  }
0x26: {  	s24 =	simm.s32 $0x21E8;
	[sflag:s14] =	ssyncadd.s32 $0xFFFFFC18  }
0x27: {  	[tilespmem:s24], [sflag:$0x3] =	stream.linear.gather [hbm4b:s7+s3], $0x20, $0x38;
	[tilespmem:$0xF418] =	vst v63  }
0x28: {  	_ =	swait.ge [sflag:s14], $0x20  }
0x29: {  	[sflag:s14] =	ssyncset.done $0x0  }
0x2a: {  	[sflag:s14] =	ssyncadd.s32 $0xFFFFFFE0  }
0x2b: {  	v4 =	vld [tilespmem:$0x21F8];
	_ =	sdelay $0x4  }
0x2c: {  	(erf) = vrcp.f32 v4;
	_ =	sdelay $0x8  }
0x2d: {  	s17 =	simm.s32 $0x0;
	s2 =	simm.s32 $0x1800;
	v4 =	vld [tilespmem:$0x21E8];
	v5 =	vpop (erf)  }
.LBB2_2:
0x2e: {  	v8 =	vld [tilespmem:s0+$0x0]  }
0x2f: {  	v6 =	vld.idx.msk [tilespmem:v0+s16+$0x0], $0xffff;
	_ =	sdelay $0x4  }
0x30: {  	vm1 =	vlt.f32 v6, v8  }
0x31: {  	v6 =	vsel vm1, $0x1F3, v0  }
0x32: {  	v7 =	vsel vm1, $0x1F5, v1;
	v9 =	vshrl.u32 v6, $0x1  }
0x33: {  	v10 =	vadd.s32 v7, v9;
	_ =	sdelay $0x4  }
0x34: {  	v11 =	vld.idx.msk [tilespmem:v10+s16+$0x0], $0xffff;
	_ =	sdelay $0x3  }
0x35: {  	v12 =	vxor.u32 $0xFFFFFFFF, v9  }
0x36: {  	v6 =	vadd.s32 v12, v6;
	vm1 =	vlt.f32 v11, v8  }
0x37: {  	v10 =	vadd.s32 $0x1, v10;
	v6 =	vsel vm1, v6, v9  }
0x38: {  	v7 =	vsel vm1, v10, v7;
	v9 =	vshrl.u32 v6, $0x1  }
0x39: {  	v10 =	vadd.s32 v9, v7;
	_ =	sdelay $0x4  }
0x3a: {  	v39 =	vld.idx.msk [tilespmem:v10+s16+$0x0], $0xffff;
	_ =	sdelay $0x3  }
0x3b: {  	v40 =	vxor.u32 $0xFFFFFFFF, v9  }
0x3c: {  	v6 =	vadd.s32 v40, v6;
	vm1 =	vlt.f32 v39, v8  }
0x3d: {  	v10 =	vadd.s32 $0x1, v10;
	v6 =	vsel vm1, v6, v9  }
0x3e: {  	v7 =	vsel vm1, v10, v7;
	v9 =	vshrl.u32 v6, $0x1  }
0x3f: {  	v10 =	vadd.s32 v9, v7;
	_ =	sdelay $0x4  }
0x40: {  	v41 =	vld.idx.msk [tilespmem:v10+s16+$0x0], $0xffff;
	_ =	sdelay $0x3  }
0x41: {  	v42 =	vxor.u32 $0xFFFFFFFF, v9  }
0x42: {  	v6 =	vadd.s32 v42, v6;
	vm1 =	vlt.f32 v41, v8  }
0x43: {  	v10 =	vadd.s32 $0x1, v10;
	v6 =	vsel vm1, v6, v9  }
0x44: {  	v7 =	vsel vm1, v10, v7;
	v9 =	vshrl.u32 v6, $0x1  }
0x45: {  	v10 =	vadd.s32 v9, v7;
	_ =	sdelay $0x4  }
0x46: {  	v43 =	vld.idx.msk [tilespmem:v10+s16+$0x0], $0xffff;
	_ =	sdelay $0x3  }
0x47: {  	v44 =	vxor.u32 $0xFFFFFFFF, v9  }
0x48: {  	v6 =	vadd.s32 v44, v6;
	vm1 =	vlt.f32 v43, v8  }
0x49: {  	v10 =	vadd.s32 $0x1, v10;
	v6 =	vsel vm1, v6, v9  }
0x4a: {  	v7 =	vsel vm1, v10, v7;
	v9 =	vshrl.u32 v6, $0x1  }
0x4b: {  	v10 =	vadd.s32 v9, v7;
	_ =	sdelay $0x4  }
0x4c: {  	v45 =	vld.idx.msk [tilespmem:v10+s16+$0x0], $0xffff;
	_ =	sdelay $0x3  }
0x4d: {  	v46 =	vxor.u32 $0xFFFFFFFF, v9  }
0x4e: {  	v6 =	vadd.s32 v46, v6;
	vm1 =	vlt.f32 v45, v8  }
0x4f: {  	v10 =	vadd.s32 $0x1, v10;
	v6 =	vsel vm1, v6, v9  }
0x50: {  	v7 =	vsel vm1, v10, v7;
	v9 =	vshrl.u32 v6, $0x1  }
0x51: {  	v10 =	vadd.s32 v9, v7;
	_ =	sdelay $0x4  }
0x52: {  	v47 =	vld.idx.msk [tilespmem:v10+s16+$0x0], $0xffff;
	_ =	sdelay $0x3  }
0x53: {  	v48 =	vxor.u32 $0xFFFFFFFF, v9  }
0x54: {  	v6 =	vadd.s32 v48, v6;
	vm1 =	vlt.f32 v47, v8  }
0x55: {  	v10 =	vadd.s32 $0x1, v10;
	v6 =	vsel vm1, v6, v9  }
0x56: {  	v7 =	vsel vm1, v10, v7;
	v9 =	vshrl.u32 v6, $0x1  }
0x57: {  	v10 =	vadd.s32 v9, v7  }
0x58: {  	v49 =	vmin.u32 v10, $0x3E7;
	_ =	sdelay $0x4  }
0x59: {  	v11 =	vld.idx.msk [tilespmem:v49+s16+$0x0], $0xffff;
	_ =	sdelay $0x4  }
0x5a: {  	vm2 =	vne.s32 v6, $0x0;
	v50 =	vxor.u32 $0xFFFFFFFF, v9;
	vm1 =	vlt.f32 v11, v8  }
0x5b: {  	v6 =	vadd.s32 v50, v6;
	vm1 =	vmand vm1, vm2  }
0x5c: {  	v10 =	vadd.s32 $0x1, v10;
	v6 =	vsel vm1, v6, v9  }
0x5d: {  	v7 =	vsel vm1, v10, v7;
	v9 =	vshrl.u32 v6, $0x1  }
0x5e: {  	v10 =	vadd.s32 v9, v7  }
0x5f: {  	vm1 =	vlt.s32 v10, $0x3E7  }
0x60: {  	v51 =	vnsel vm1, $0x3E7, v10;
	_ =	sdelay $0x4  }
0x61: {  	v11 =	vld.idx.msk [tilespmem:v51+s16+$0x0], $0xffff;
	_ =	sdelay $0x4  }
0x62: {  	vm2 =	vgt.s32 v6, $0x0;
	v52 =	vxor.u32 $0xFFFFFFFF, v9;
	vm1 =	vlt.f32 v11, v8  }
0x63: {  	v6 =	vadd.s32 v52, v6;
	vm1 =	vmand vm1, vm2  }
0x64: {  	v10 =	vadd.s32 $0x1, v10;
	v9 =	vsel vm1, v6, v9  }
0x65: {  	v10 =	vsel vm1, v10, v7;
	v6 =	vshrl.u32 v9, $0x1  }
0x66: {  	v53 =	vadd.s32 v6, v10  }
0x67: {  	vm1 =	vlt.s32 v53, $0x3E7  }
0x68: {  	v6 =	vnsel vm1, $0x3E7, v53;
	_ =	sdelay $0x4  }
0x69: {  	v54 =	vld.idx.msk [tilespmem:v6+s16+$0x0], $0xffff  }
0x6a: {  	v7 =	vor.u32 s17, v2  }
0x6b: {  	v6 =	vmul.u32 $0x9, v7;
	_ =	sdelay $0x1  }
0x6c: {  	v7 =	vmul.u32 $0xA, v7;
	v13 =	vadd.s32 $0x8, v6  }
0x6d: {  	vm2 =	vgt.s32 v9, $0x0;
	vm1 =	vlt.f32 v54, v8;
	v8 =	vsub.f32 v8, v4  }
0x6e: {  	v55 =	vadd.s32 $0x1, v53;
	v56 =	vor.u32 $0x1, v7;
	vm1 =	vmand vm1, vm2  }
0x6f: {  	v17 =	vadd.s32 $0x2, v7;
	v9 =	vsel vm1, v55, v10;
	v8 =	vmul.f32 v8, v5  }
0x70: {  	v25 =	vadd.s32 $0x3, v7;
	[tilespmem:s2+$0x0] =	vst v9  }
0x71: {  	v33 =	vadd.s32 $0x4, v7;
	[tilespmem:v13+s18+$0x0] =	vst.idx.msk $0xffff, v8  }
0x72: {  	v41 =	vadd.s32 $0x5, v7;
	v8 =	vld.idx.msk [tilespmem:v7+s13+$0x0], $0xffff  }
0x73: {  	v9 =	vld.idx.msk [tilespmem:v56+s13+$0x0], $0xffff  }
0x74: {  	v17 =	vld.idx.msk [tilespmem:v17+s13+$0x0], $0xffff  }
0x75: {  	v25 =	vld.idx.msk [tilespmem:v25+s13+$0x0], $0xffff  }
0x76: {  	v49 =	vadd.s32 $0x6, v7;
	v33 =	vld.idx.msk [tilespmem:v33+s13+$0x0], $0xffff  }
0x77: {  	v41 =	vld.idx.msk [tilespmem:v41+s13+$0x0], $0xffff;
	v8 =	vshll.u32 v8, $0x3  }
0x78: {  	v9 =	vshll.u32 v9, $0x3  }
0x79: {  	v17 =	vshll.u32 v17, $0x3  }
0x7a: {  	v25 =	vshll.u32 v25, $0x3  }
0x7b: {  	v49 =	vld.idx.msk [tilespmem:v49+s13+$0x0], $0xffff;
	v33 =	vshll.u32 v33, $0x3  }
0x7c: {  	v41 =	vshll.u32 v41, $0x3;
	v14 =	vld.idx.msk [tilespmem:v8+s15+$0x0], $0xffff  }
0x7d: {  	v57 =	vor.u32 $0x1, v8;
	v22 =	vld.idx.msk [tilespmem:v9+s15+$0x0], $0xffff  }
0x7e: {  	v58 =	vor.u32 $0x2, v8;
	v30 =	vld.idx.msk [tilespmem:v17+s15+$0x0], $0xffff  }
0x7f: {  	v59 =	vor.u32 $0x3, v8;
	v38 =	vld.idx.msk [tilespmem:v25+s15+$0x0], $0xffff  }
0x80: {  	v60 =	vor.u32 $0x4, v8;
	v46 =	vld.idx.msk [tilespmem:v33+s15+$0x0], $0xffff  }
0x81: {  	v15 =	vor.u32 $0x5, v8;
	v54 =	vld.idx.msk [tilespmem:v41+s15+$0x0], $0xffff  }
0x82: {  	v16 =	vor.u32 $0x6, v8;
	v10 =	vld.idx.msk [tilespmem:v57+s15+$0x0], $0xffff  }
0x83: {  	v18 =	vor.u32 $0x1, v9;
	v11 =	vld.idx.msk [tilespmem:v58+s15+$0x0], $0xffff  }
0x84: {  	v19 =	vor.u32 $0x2, v9;
	v12 =	vld.idx.msk [tilespmem:v59+s15+$0x0], $0xffff  }
0x85: {  	v20 =	vor.u32 $0x3, v9;
	v13 =	vld.idx.msk [tilespmem:v60+s15+$0x0], $0xffff  }
0x86: {  	v21 =	vor.u32 $0x4, v9;
	v15 =	vld.idx.msk [tilespmem:v15+s15+$0x0], $0xffff  }
0x87: {  	v23 =	vor.u32 $0x5, v9;
	v16 =	vld.idx.msk [tilespmem:v16+s15+$0x0], $0xffff  }
0x88: {  	v24 =	vor.u32 $0x6, v9;
	v18 =	vld.idx.msk [tilespmem:v18+s15+$0x0], $0xffff  }
0x89: {  	v26 =	vor.u32 $0x1, v17;
	v19 =	vld.idx.msk [tilespmem:v19+s15+$0x0], $0xffff  }
0x8a: {  	v27 =	vor.u32 $0x2, v17;
	v20 =	vld.idx.msk [tilespmem:v20+s15+$0x0], $0xffff  }
0x8b: {  	v28 =	vor.u32 $0x3, v17;
	v21 =	vld.idx.msk [tilespmem:v21+s15+$0x0], $0xffff  }
0x8c: {  	v29 =	vor.u32 $0x4, v17;
	v23 =	vld.idx.msk [tilespmem:v23+s15+$0x0], $0xffff  }
0x8d: {  	v31 =	vor.u32 $0x5, v17;
	v24 =	vld.idx.msk [tilespmem:v24+s15+$0x0], $0xffff  }
0x8e: {  	v32 =	vor.u32 $0x6, v17;
	v26 =	vld.idx.msk [tilespmem:v26+s15+$0x0], $0xffff  }
0x8f: {  	v34 =	vor.u32 $0x1, v25;
	v27 =	vld.idx.msk [tilespmem:v27+s15+$0x0], $0xffff  }
0x90: {  	v35 =	vor.u32 $0x2, v25;
	v28 =	vld.idx.msk [tilespmem:v28+s15+$0x0], $0xffff  }
0x91: {  	v36 =	vor.u32 $0x3, v25;
	v29 =	vld.idx.msk [tilespmem:v29+s15+$0x0], $0xffff  }
0x92: {  	v37 =	vor.u32 $0x4, v25;
	v31 =	vld.idx.msk [tilespmem:v31+s15+$0x0], $0xffff  }
0x93: {  	v39 =	vor.u32 $0x5, v25;
	v32 =	vld.idx.msk [tilespmem:v32+s15+$0x0], $0xffff  }
0x94: {  	v40 =	vor.u32 $0x6, v25;
	v34 =	vld.idx.msk [tilespmem:v34+s15+$0x0], $0xffff  }
0x95: {  	v42 =	vor.u32 $0x1, v33;
	v35 =	vld.idx.msk [tilespmem:v35+s15+$0x0], $0xffff  }
0x96: {  	v43 =	vor.u32 $0x2, v33;
	v36 =	vld.idx.msk [tilespmem:v36+s15+$0x0], $0xffff  }
0x97: {  	v44 =	vor.u32 $0x3, v33;
	v37 =	vld.idx.msk [tilespmem:v37+s15+$0x0], $0xffff  }
0x98: {  	v45 =	vor.u32 $0x4, v33;
	v39 =	vld.idx.msk [tilespmem:v39+s15+$0x0], $0xffff  }
0x99: {  	v47 =	vor.u32 $0x5, v33;
	v40 =	vld.idx.msk [tilespmem:v40+s15+$0x0], $0xffff  }
0x9a: {  	v48 =	vor.u32 $0x6, v33;
	v42 =	vld.idx.msk [tilespmem:v42+s15+$0x0], $0xffff  }
0x9b: {  	v50 =	vor.u32 $0x1, v41;
	v43 =	vld.idx.msk [tilespmem:v43+s15+$0x0], $0xffff  }
0x9c: {  	v51 =	vor.u32 $0x2, v41;
	v44 =	vld.idx.msk [tilespmem:v44+s15+$0x0], $0xffff  }
0x9d: {  	v52 =	vor.u32 $0x3, v41;
	v45 =	vld.idx.msk [tilespmem:v45+s15+$0x0], $0xffff  }
0x9e: {  	v53 =	vor.u32 $0x4, v41;
	v47 =	vld.idx.msk [tilespmem:v47+s15+$0x0], $0xffff  }
0x9f: {  	v55 =	vor.u32 $0x5, v41;
	v48 =	vld.idx.msk [tilespmem:v48+s15+$0x0], $0xffff  }
0xa0: {  	v56 =	vor.u32 $0x6, v41;
	v50 =	vld.idx.msk [tilespmem:v50+s15+$0x0], $0xffff  }
0xa1: {  	v8 =	vor.u32 $0x7, v8;
	v51 =	vld.idx.msk [tilespmem:v51+s15+$0x0], $0xffff  }
0xa2: {  	v9 =	vor.u32 $0x7, v9;
	v52 =	vld.idx.msk [tilespmem:v52+s15+$0x0], $0xffff  }
0xa3: {  	v17 =	vor.u32 $0x7, v17;
	v53 =	vld.idx.msk [tilespmem:v53+s15+$0x0], $0xffff  }
0xa4: {  	v25 =	vor.u32 $0x7, v25;
	v55 =	vld.idx.msk [tilespmem:v55+s15+$0x0], $0xffff  }
0xa5: {  	v33 =	vor.u32 $0x7, v33;
	v56 =	vld.idx.msk [tilespmem:v56+s15+$0x0], $0xffff  }
0xa6: {  	v41 =	vor.u32 $0x7, v41;
	v8 =	vld.idx.msk [tilespmem:v8+s15+$0x0], $0xffff  }
0xa7: {  	v57 =	vadd.s32 $0x7, v7;
	v9 =	vld.idx.msk [tilespmem:v9+s15+$0x0], $0xffff  }
0xa8: {  	v62 =	vand.u32 $0x1FFE, v7;
	v7 =	vadd.s32 $0x9, v7;
	v17 =	vld.idx.msk [tilespmem:v17+s15+$0x0], $0xffff  }
0xa9: {  	v49 =	vshll.u32 v49, $0x3;
	v25 =	vld.idx.msk [tilespmem:v25+s15+$0x0], $0xffff;
	v14 =	vadd.f32 $0.0e+00, v14;
	v10 =	vadd.f32 $0.0e+00, v10  }
0xaa: {  	v58 =	vor.u32 $0x1, v49;
	v33 =	vld.idx.msk [tilespmem:v33+s15+$0x0], $0xffff;
	v11 =	vadd.f32 $0.0e+00, v11;
	v12 =	vadd.f32 $0.0e+00, v12  }
0xab: {  	v59 =	vor.u32 $0x2, v49;
	v41 =	vld.idx.msk [tilespmem:v41+s15+$0x0], $0xffff;
	v13 =	vadd.f32 $0.0e+00, v13;
	v15 =	vadd.f32 $0.0e+00, v15  }
0xac: {  	v60 =	vor.u32 $0x3, v49;
	v16 =	vadd.f32 $0.0e+00, v16;
	v57 =	vld.idx.msk [tilespmem:v57+s13+$0x0], $0xffff;
	v14 =	vadd.f32 v22, v14  }
0xad: {  	v61 =	vor.u32 $0x6, v49;
	v7 =	vld.idx.msk [tilespmem:v7+s13+$0x0], $0xffff;
	v10 =	vadd.f32 v18, v10;
	v11 =	vadd.f32 v19, v11  }
0xae: {  	v22 =	vor.u32 $0x4, v49;
	v18 =	vld.idx.msk [tilespmem:v49+s15+$0x0], $0xffff;
	v12 =	vadd.f32 v20, v12;
	v13 =	vadd.f32 v21, v13  }
0xaf: {  	v19 =	vor.u32 $0x5, v49;
	v20 =	vld.idx.msk [tilespmem:v58+s15+$0x0], $0xffff;
	v15 =	vadd.f32 v23, v15;
	v16 =	vadd.f32 v24, v16  }
0xb0: {  	v21 =	vld.idx.msk [tilespmem:v59+s15+$0x0], $0xffff;
	v49 =	vor.u32 $0x7, v49;
	v63 =	vadd.f32 v30, v14;
	v8 =	vadd.f32 $0.0e+00, v8  }
0xb1: {  	v23 =	vld.idx.msk [tilespmem:v60+s15+$0x0], $0xffff;
	v24 =	vadd.s32 $0x8, v62;
	v10 =	vadd.f32 v26, v10;
	v11 =	vadd.f32 v27, v11  }
0xb2: {  	v12 =	vadd.f32 v28, v12;
	v13 =	vadd.f32 v29, v13;
	v27 =	vld.idx.msk [tilespmem:v61+s15+$0x0], $0xffff;
	v57 =	vshll.u32 v57, $0x3  }
0xb3: {  	v15 =	vadd.f32 v31, v15;
	v16 =	vadd.f32 v32, v16;
	v7 =	vshll.u32 v7, $0x3;
	v14 =	vld.idx.msk [tilespmem:v22+s15+$0x0], $0xffff  }
0xb4: {  	v8 =	vadd.f32 v9, v8;
	v59 =	vor.u32 $0x1, v57;
	v60 =	vor.u32 $0x2, v57;
	v19 =	vld.idx.msk [tilespmem:v19+s15+$0x0], $0xffff  }
0xb5: {  	v61 =	vor.u32 $0x3, v57;
	v9 =	vadd.f32 v38, v63;
	v10 =	vadd.f32 v34, v10;
	v29 =	vld.idx.msk [tilespmem:v49+s15+$0x0], $0xffff  }
0xb6: {  	v62 =	vor.u32 $0x4, v57;
	v11 =	vadd.f32 v35, v11;
	v12 =	vadd.f32 v36, v12;
	v24 =	vld.idx.msk [tilespmem:v24+s13+$0x0], $0xffff  }
0xb7: {  	v63 =	vor.u32 $0x5, v57;
	v13 =	vadd.f32 v37, v13;
	v15 =	vadd.f32 v39, v15;
	v31 =	vld.idx.msk [tilespmem:v57+s15+$0x0], $0xffff  }
0xb8: {  	v38 =	vor.u32 $0x6, v57;
	v16 =	vadd.f32 v40, v16;
	v12 =	vadd.f32 v44, v12;
	v44 =	vld.idx.msk [tilespmem:v7+s15+$0x0], $0xffff  }
0xb9: {  	v22 =	vor.u32 $0x7, v57;
	v8 =	vadd.f32 v17, v8;
	v9 =	vadd.f32 v46, v9;
	v26 =	vld.idx.msk [tilespmem:v59+s15+$0x0], $0xffff  }
0xba: {  	v36 =	vor.u32 $0x1, v7;
	v10 =	vadd.f32 v42, v10;
	v11 =	vadd.f32 v43, v11;
	v28 =	vld.idx.msk [tilespmem:v60+s15+$0x0], $0xffff  }
0xbb: {  	v40 =	vor.u32 $0x2, v7;
	v13 =	vadd.f32 v45, v13;
	v8 =	vadd.f32 v25, v8;
	v25 =	vld.idx.msk [tilespmem:v61+s15+$0x0], $0xffff  }
0xbc: {  	v15 =	vadd.f32 v47, v15;
	v16 =	vadd.f32 v48, v16;
	v42 =	vor.u32 $0x3, v7;
	v17 =	vld.idx.msk [tilespmem:v62+s15+$0x0], $0xffff  }
0xbd: {  	v43 =	vor.u32 $0x4, v7;
	v45 =	vor.u32 $0x5, v7;
	v9 =	vadd.f32 v54, v9;
	v46 =	vld.idx.msk [tilespmem:v63+s15+$0x0], $0xffff  }
0xbe: {  	v47 =	vor.u32 $0x6, v7;
	v10 =	vadd.f32 v50, v10;
	v11 =	vadd.f32 v51, v11;
	v34 =	vld.idx.msk [tilespmem:v38+s15+$0x0], $0xffff  }
0xbf: {  	v12 =	vadd.f32 v52, v12;
	v15 =	vadd.f32 v55, v15;
	v22 =	vld.idx.msk [tilespmem:v22+s15+$0x0], $0xffff;
	v24 =	vshll.u32 v24, $0x3  }
0xc0: {  	v13 =	vadd.f32 v53, v13;
	v11 =	vadd.f32 v21, v11;
	v21 =	vld.idx.msk [tilespmem:v36+s15+$0x0], $0xffff;
	v49 =	vor.u32 $0x1, v24  }
0xc1: {  	v16 =	vadd.f32 v56, v16;
	v15 =	vadd.f32 v19, v15;
	v57 =	vor.u32 $0x2, v24;
	v48 =	vld.idx.msk [tilespmem:v42+s15+$0x0], $0xffff  }
0xc2: {  	v7 =	vor.u32 $0x7, v7;
	v51 =	vadd.s32 $0x9, v6;
	v58 =	vor.u32 $0x3, v24;
	v50 =	vld.idx.msk [tilespmem:v45+s15+$0x0], $0xffff  }
0xc3: {  	v8 =	vadd.f32 v33, v8;
	v59 =	vor.u32 $0x4, v24;
	v15 =	vadd.f32 v46, v15;
	v46 =	vld.idx.msk [tilespmem:v40+s15+$0x0], $0xffff  }
0xc4: {  	v9 =	vadd.f32 v18, v9;
	v10 =	vadd.f32 v20, v10;
	v61 =	vor.u32 $0x5, v24;
	v60 =	vld.idx.msk [tilespmem:v24+s15+$0x0], $0xffff  }
0xc5: {  	v12 =	vadd.f32 v23, v12;
	v62 =	vor.u32 $0x6, v24;
	v8 =	vadd.f32 v41, v8;
	v32 =	vld.idx.msk [tilespmem:v49+s15+$0x0], $0xffff  }
0xc6: {  	v52 =	vadd.s32 $0xA, v6;
	v13 =	vadd.f32 v14, v13;
	v16 =	vadd.f32 v27, v16;
	v63 =	vld.idx.msk [tilespmem:v57+s15+$0x0], $0xffff  }
0xc7: {  	v9 =	vadd.f32 v31, v9;
	v8 =	vadd.f32 v29, v8;
	v24 =	vor.u32 $0x7, v24;
	v33 =	vld.idx.msk [tilespmem:v58+s15+$0x0], $0xffff  }
0xc8: {  	v54 =	vadd.s32 $0xB, v6;
	v10 =	vadd.f32 v26, v10;
	v11 =	vadd.f32 v28, v11;
	v35 =	vld.idx.msk [tilespmem:v59+s15+$0x0], $0xffff  }
0xc9: {  	v55 =	vadd.s32 $0xC, v6;
	v12 =	vadd.f32 v25, v12;
	v13 =	vadd.f32 v17, v13;
	v38 =	vld.idx.msk [tilespmem:v61+s15+$0x0], $0xffff  }
0xca: {  	v56 =	vadd.s32 $0xD, v6;
	v16 =	vadd.f32 v34, v16;
	v41 =	vld.idx.msk [tilespmem:v62+s15+$0x0], $0xffff;
	v9 =	vadd.f32 v60, v9  }
0xcb: {  	v8 =	vadd.f32 v22, v8;
	v49 =	vld.idx.msk [tilespmem:v43+s15+$0x0], $0xffff;
	v58 =	vadd.s32 $0xE, v6;
	v10 =	vadd.f32 v32, v10  }
0xcc: {  	v24 =	vld.idx.msk [tilespmem:v24+s15+$0x0], $0xffff;
	v60 =	vadd.s32 $0xF, v6;
	v11 =	vadd.f32 v63, v11;
	v9 =	vadd.f32 v44, v9  }
0xcd: {  	v53 =	vld.idx.msk [tilespmem:v47+s15+$0x0], $0xffff;
	v6 =	vand.u32 $0x1FFF, v6;
	v12 =	vadd.f32 v33, v12;
	v10 =	vadd.f32 v21, v10  }
0xce: {  	v7 =	vld.idx.msk [tilespmem:v7+s15+$0x0], $0xffff;
	v13 =	vadd.f32 v35, v13;
	v11 =	vadd.f32 v46, v11;
	v9 =	vmul.f32 $1.000000010e-01, v9  }
0xcf: {  	v15 =	vadd.f32 v38, v15;
	v12 =	vadd.f32 v48, v12;
	v10 =	vmul.f32 $1.000000010e-01, v10  }
0xd0: {  	v16 =	vadd.f32 v41, v16;
	v13 =	vadd.f32 v49, v13;
	v11 =	vmul.f32 $1.000000010e-01, v11;
	[tilespmem:v51+s18+$0x0] =	vst.idx.msk $0xffff, v9  }
0xd1: {  	v57 =	vadd.f32 v50, v15;
	v8 =	vadd.f32 v24, v8;
	v59 =	vmul.f32 $1.000000010e-01, v12;
	[tilespmem:v52+s18+$0x0] =	vst.idx.msk $0xffff, v10  }
0xd2: {  	p0 =	sne.s32 s17, $0x1F0;
	v6 =	vadd.s32 $0x10, v6;
	v61 =	vadd.f32 v53, v16;
	v13 =	vmul.f32 $1.000000010e-01, v13;
	[tilespmem:v54+s18+$0x0] =	vst.idx.msk $0xffff, v11  }
.Ltmp0:
0xd3: {  	v62 =	vmul.f32 $1.000000010e-01, v57;
	v7 =	vadd.f32 v7, v8;
	[tilespmem:v55+s18+$0x0] =	vst.idx.msk $0xffff, v59;
	(pc) =	sbr.rel @p0 .LBB2_2-.Ltmp0, $4  }
0xd4: {  	v63 =	vmul.f32 $1.000000010e-01, v61;
	[tilespmem:v56+s18+$0x0] =	vst.idx.msk $0xffff, v13  }
0xd5: {  	v7 =	vmul.f32 $1.000000010e-01, v7;
	[tilespmem:v58+s18+$0x0] =	vst.idx.msk $0xffff, v62  }
0xd6: {  	[tilespmem:v60+s18+$0x0] =	vst.idx.msk $0xffff, v63  }
0xd7: {  	s0 =	sadd.s32 $0x10, s0;
	s17 =	sadd.s32 $0x10, s17;
	s2 =	sadd.s32 $0x10, s2;
	[tilespmem:v6+s18+$0x0] =	vst.idx.msk $0xffff, v7  }
0xd8: {  	s0 =	simm.s32 $0x0  }
0xd9: {  	[tilespmem:s20], [sflag:$0x1] =	stream.indirect.gather [hbm4b:s4+s19], $0x20, s0, s19, $0xb8;
	[tilespmem:$0xF418] =	vst v63  }
0xda: {  	_ =	swait.ge [sflag:s21], $0x1000  }
0xdb: {  	[sflag:s21] =	ssyncset.done $0x0  }
0xdc: {  	s2 =	simm.s32 $0x0;
	[sflag:s21] =	ssyncadd.s32 $0xFFFFF000  }
0xdd: {  	[tilespmem:s22], [sflag:$0x1] =	stream.indirect.gather [hbm4b:s4+s19], $0x20, s19, s19, $0xb8;
	[tilespmem:$0xF418] =	vst v63  }
0xde: {  	v4 =	vld [tilespmem:s2+$0x3418];
	_ =	sdelay $0x3  }
0xdf: {  	s0 =	simm.s32 $0x5428  }
0xe0: {  	[tilespmem:s0+$0xFFFFFFF0] =	vst v4  }
0xe1: {  	v4 =	vld [tilespmem:s2+$0x3428];
	_ =	sdelay $0x4  }
0xe2: {  	s17 =	simm.s32 $0x20;
	s2 =	simm.s32 $0x100;
	[tilespmem:s0+$0x0] =	vst v4  }
.LBB2_4:
0xe3: {  	p0 =	sne.s32 s2, $0x3F80;
	v4 =	vld [tilespmem:s17+$0x3418];
	_ =	sdelay $0x3  }
0xe4: {  	s0 =	sadd.s32 $0x50, s0  }
0xe5: {  	[tilespmem:s0+$0xFFFFFFF0] =	vst v4  }
0xe6: {  	v4 =	vld [tilespmem:s17+$0x3428]  }
.Ltmp1:
0xe7: {  	(pc) =	sbr.rel @p0 .LBB2_4-.Ltmp1, $2  }
0xe8: {  	_ =	sdelay $0x2  }
0xe9: {  	s17 =	sshra.s32 s2, $0x2;
	s2 =	sadd.s32 $0x80, s2;
	[tilespmem:s0+$0x0] =	vst v4  }
0xea: {  	v4 =	vld [tilespmem:s17+$0x3418];
	_ =	sdelay $0x3  }
0xeb: {  	s0 =	sadd.s32 $0x50, s0  }
0xec: {  	[tilespmem:s0+$0xFFFFFFF0] =	vst v4  }
0xed: {  	v4 =	vld [tilespmem:s17+$0x3428];
	_ =	sdelay $0x4  }
0xee: {  	[tilespmem:s0+$0x0] =	vst v4  }
0xef: {  	_ =	swait.ge [sflag:s21], $0x1000  }
0xf0: {  	[sflag:s21] =	ssyncset.done $0x0  }
0xf1: {  	s24 =	simm.s32 $0x100;
	s2 =	simm.s32 $0x0;
	[sflag:s21] =	ssyncadd.s32 $0xFFFFF000  }
0xf2: {  	[tilespmem:s20], [sflag:$0x1] =	stream.indirect.gather [hbm4b:s4+s19], $0x20, s24, s19, $0xb8;
	[tilespmem:$0xF418] =	vst v63  }
0xf3: {  	v4 =	vld [tilespmem:s2+$0x4418];
	_ =	sdelay $0x3  }
0xf4: {  	s0 =	simm.s32 $0x7C28  }
0xf5: {  	[tilespmem:s0+$0xFFFFFFF0] =	vst v4  }
0xf6: {  	v4 =	vld [tilespmem:s2+$0x4428];
	_ =	sdelay $0x4  }
0xf7: {  	s17 =	simm.s32 $0x20;
	s2 =	simm.s32 $0x100;
	[tilespmem:s0+$0x0] =	vst v4  }
.LBB2_6:
0xf8: {  	p0 =	sne.s32 s2, $0x3F80;
	v4 =	vld [tilespmem:s17+$0x4418];
	_ =	sdelay $0x3  }
0xf9: {  	s0 =	sadd.s32 $0x50, s0  }
0xfa: {  	[tilespmem:s0+$0xFFFFFFF0] =	vst v4  }
0xfb: {  	v4 =	vld [tilespmem:s17+$0x4428]  }
.Ltmp2:
0xfc: {  	(pc) =	sbr.rel @p0 .LBB2_6-.Ltmp2, $2  }
0xfd: {  	_ =	sdelay $0x2  }
0xfe: {  	s17 =	sshra.s32 s2, $0x2;
	s2 =	sadd.s32 $0x80, s2;
	[tilespmem:s0+$0x0] =	vst v4  }
0xff: {  	v4 =	vld [tilespmem:s17+$0x4418];
	_ =	sdelay $0x3  }
0x100: {  	s0 =	sadd.s32 $0x50, s0  }
0x101: {  	[tilespmem:s0+$0xFFFFFFF0] =	vst v4  }
0x102: {  	v4 =	vld [tilespmem:s17+$0x4428];
	_ =	sdelay $0x4  }
0x103: {  	[tilespmem:s0+$0x0] =	vst v4  }
0x104: {  	_ =	swait.ge [sflag:s21], $0x1000  }
0x105: {  	[sflag:s21] =	ssyncset.done $0x0  }
0x106: {  	s24 =	simm.s32 $0x180;
	s2 =	simm.s32 $0x0;
	[sflag:s21] =	ssyncadd.s32 $0xFFFFF000  }
0x107: {  	[tilespmem:s22], [sflag:$0x1] =	stream.indirect.gather [hbm4b:s4+s19], $0x20, s24, s19, $0xb8;
	[tilespmem:$0xF418] =	vst v63  }
0x108: {  	v4 =	vld [tilespmem:s2+$0x3418];
	_ =	sdelay $0x3  }
0x109: {  	s0 =	simm.s32 $0xA418  }
0x10a: {  	[tilespmem:s0+$0x0] =	vst v4  }
0x10b: {  	v4 =	vld [tilespmem:s2+$0x3428];
	_ =	sdelay $0x4  }
0x10c: {  	s17 =	simm.s32 $0x20;
	s2 =	simm.s32 $0x100;
	[tilespmem:s0+$0x10] =	vst v4  }
.LBB2_8:
0x10d: {  	p0 =	sne.s32 s2, $0x3F80;
	v4 =	vld [tilespmem:s17+$0x3418];
	_ =	sdelay $0x3  }
0x10e: {  	s0 =	sadd.s32 $0x50, s0  }
0x10f: {  	[tilespmem:s0+$0x0] =	vst v4  }
0x110: {  	v4 =	vld [tilespmem:s17+$0x3428]  }
.Ltmp3:
0x111: {  	(pc) =	sbr.rel @p0 .LBB2_8-.Ltmp3, $2  }
0x112: {  	_ =	sdelay $0x2  }
0x113: {  	s17 =	sshra.s32 s2, $0x2;
	s2 =	sadd.s32 $0x80, s2;
	[tilespmem:s0+$0x10] =	vst v4  }
0x114: {  	v4 =	vld [tilespmem:s17+$0x3418];
	_ =	sdelay $0x3  }
0x115: {  	s0 =	sadd.s32 $0x50, s0  }
0x116: {  	[tilespmem:s0+$0x0] =	vst v4  }
0x117: {  	v4 =	vld [tilespmem:s17+$0x3428];
	_ =	sdelay $0x4  }
0x118: {  	[tilespmem:s0+$0x10] =	vst v4  }
0x119: {  	_ =	swait.ge [sflag:s21], $0x1000  }
0x11a: {  	[sflag:s21] =	ssyncset.done $0x0  }
0x11b: {  	s2 =	simm.s32 $0x0;
	[sflag:s21] =	ssyncadd.s32 $0xFFFFF000  }
0x11c: {  	[tilespmem:s20], [sflag:$0x1] =	stream.indirect.gather [hbm4b:s5+s19], $0x20, s25, s19, $0xb8;
	[tilespmem:$0xF418] =	vst v63  }
0x11d: {  	v4 =	vld [tilespmem:s2+$0x4418];
	_ =	sdelay $0x3  }
0x11e: {  	s0 =	simm.s32 $0xCC18  }
0x11f: {  	[tilespmem:s0+$0x0] =	vst v4  }
0x120: {  	v4 =	vld [tilespmem:s2+$0x4428];
	_ =	sdelay $0x4  }
0x121: {  	s17 =	simm.s32 $0x20;
	s2 =	simm.s32 $0x100;
	[tilespmem:s0+$0x10] =	vst v4  }
.LBB2_10:
0x122: {  	p0 =	sne.s32 s2, $0x3F80;
	v4 =	vld [tilespmem:s17+$0x4418];
	_ =	sdelay $0x3  }
0x123: {  	s0 =	sadd.s32 $0x50, s0  }
0x124: {  	[tilespmem:s0+$0x0] =	vst v4  }
0x125: {  	v4 =	vld [tilespmem:s17+$0x4428]  }
.Ltmp4:
0x126: {  	(pc) =	sbr.rel @p0 .LBB2_10-.Ltmp4, $2  }
0x127: {  	_ =	sdelay $0x2  }
0x128: {  	s17 =	sshra.s32 s2, $0x2;
	s2 =	sadd.s32 $0x80, s2;
	[tilespmem:s0+$0x10] =	vst v4  }
0x129: {  	v4 =	vld [tilespmem:s17+$0x4418];
	_ =	sdelay $0x3  }
0x12a: {  	s0 =	sadd.s32 $0x50, s0  }
0x12b: {  	[tilespmem:s0+$0x0] =	vst v4  }
0x12c: {  	v4 =	vld [tilespmem:s17+$0x4428];
	_ =	sdelay $0x4  }
0x12d: {  	[tilespmem:s0+$0x10] =	vst v4  }
0x12e: {  	_ =	swait.ge [sflag:s21], $0x1000  }
0x12f: {  	[sflag:s21] =	ssyncset.done $0x0  }
0x130: {  	s2 =	simm.s32 $0x3428;
	[sflag:s21] =	ssyncadd.s32 $0xFFFFF000  }
0x131: {  	[tilespmem:s22], [sflag:$0x1] =	stream.indirect.gather [hbm4b:s5+s19], $0x20, s26, s19, $0xb8;
	[tilespmem:$0xF418] =	vst v63  }
0x132: {  	v4 =	vld [tilespmem:s2+$0xFFFFFFF0];
	_ =	sdelay $0x3  }
0x133: {  	s0 =	simm.s32 $0x5451  }
0x134: {  	[tilespmem:s0+$0xFFFFFFE7] =	vst v4  }
0x135: {  	v4 =	vld [tilespmem:s2+$0x0];
	_ =	sdelay $0x4  }
0x136: {  	s24 =	simm.s32 $0x1;
	[tilespmem:s0+$0xFFFFFFF7] =	vst v4  }
0x137: {  	v5 =	vld [tilespmem:s24+$0x2208];
	_ =	sdelay $0x2  }
0x138: {  	v4 =	vperm.xlane v4, v3;
	_ =	sdelay $0x1  }
0x139: {  	v4 =	vsel vm0, v4, v5  }
0x13a: {  	s17 =	simm.s32 $0x3448;
	[tilespmem:s0+$0x0] =	vst v4  }
0x13b: {  	s23 =	simm.s32 $0x4C;
	s2 =	simm.s32 $0x28;
	v4 =	vld [tilespmem:s17+$0xFFFFFFF0]  }
.LBB2_12:
0x13c: {  	p0 =	sne.s32 s23, $0x11E0;
	_ =	sdelay $0x2  }
0x13d: {  	s0 =	sadd.s32 $0x50, s0  }
0x13e: {  	[tilespmem:s0+$0xFFFFFFE7] =	vst v4  }
0x13f: {  	v4 =	vld [tilespmem:s17+$0x0];
	_ =	sdelay $0x4  }
0x140: {  	s24 =	sshra.s32 s2, $0x2;
	s2 =	smov.u32 s23;
	[tilespmem:s0+$0xFFFFFFF7] =	vst v4;
	v4 =	vperm.xlane v4, v3  }
0x141: {  	v5 =	vld [tilespmem:s24+$0x2208];
	_ =	sdelay $0x2  }
.Ltmp5:
0x142: {  	(pc) =	sbr.rel @p0 .LBB2_12-.Ltmp5, $4  }
0x143: {  	_ = 	snop  }
0x144: {  	v4 =	vsel vm0, v4, v5  }
0x145: {  	s17 =	sadd.s32 $0x20, s17;
	[tilespmem:s0+$0x0] =	vst v4  }
0x146: {  	s23 =	sadd.s32 $0x24, s23;
	v4 =	vld [tilespmem:s17+$0xFFFFFFF0]  }
0x147: {  	_ =	sdelay $0x2  }
0x148: {  	s0 =	sadd.s32 $0x50, s0  }
0x149: {  	[tilespmem:s0+$0xFFFFFFE7] =	vst v4  }
0x14a: {  	v4 =	vld [tilespmem:s17+$0x0];
	_ =	sdelay $0x4  }
0x14b: {  	s2 =	sshra.s32 s2, $0x2;
	[tilespmem:s0+$0xFFFFFFF7] =	vst v4  }
0x14c: {  	v5 =	vld [tilespmem:s2+$0x2208];
	_ =	sdelay $0x2  }
0x14d: {  	v4 =	vperm.xlane v4, v3;
	_ =	sdelay $0x1  }
0x14e: {  	v4 =	vsel vm0, v4, v5  }
0x14f: {  	[tilespmem:s0+$0x0] =	vst v4  }
0x150: {  	_ =	swait.ge [sflag:s21], $0x1000  }
0x151: {  	[sflag:s21] =	ssyncset.done $0x0  }
0x152: {  	s23 =	simm.s32 $0x4428;
	[sflag:s21] =	ssyncadd.s32 $0xFFFFF000  }
0x153: {  	[tilespmem:s20], [sflag:$0x1] =	stream.indirect.gather [hbm4b:s5+s19], $0x20, s28, s19, $0xb8;
	[tilespmem:$0xF418] =	vst v63  }
0x154: {  	v4 =	vld [tilespmem:s23+$0xFFFFFFF0];
	_ =	sdelay $0x3  }
0x155: {  	s0 =	simm.s32 $0x7C51  }
0x156: {  	[tilespmem:s0+$0xFFFFFFE7] =	vst v4  }
0x157: {  	v4 =	vld [tilespmem:s23+$0x0];
	_ =	sdelay $0x4  }
0x158: {  	s24 =	simm.s32 $0x0;
	[tilespmem:s0+$0xFFFFFFF7] =	vst v4  }
0x159: {  	v5 =	vld [tilespmem:s24+$0x2689];
	_ =	sdelay $0x2  }
0x15a: {  	v4 =	vperm.xlane v4, v3;
	_ =	sdelay $0x1  }
0x15b: {  	v4 =	vsel vm0, v4, v5  }
0x15c: {  	s17 =	simm.s32 $0x4448;
	[tilespmem:s0+$0x0] =	vst v4  }
0x15d: {  	s2 =	simm.s32 $0x24;
	s23 =	simm.s32 $0x48;
	v4 =	vld [tilespmem:s17+$0xFFFFFFF0]  }
.LBB2_14:
0x15e: {  	p0 =	sne.s32 s23, $0x11DC;
	_ =	sdelay $0x2  }
0x15f: {  	s0 =	sadd.s32 $0x50, s0  }
0x160: {  	[tilespmem:s0+$0xFFFFFFE7] =	vst v4  }
0x161: {  	v4 =	vld [tilespmem:s17+$0x0];
	_ =	sdelay $0x4  }
0x162: {  	s24 =	sshra.s32 s2, $0x2;
	s2 =	smov.u32 s23;
	[tilespmem:s0+$0xFFFFFFF7] =	vst v4;
	v4 =	vperm.xlane v4, v3  }
0x163: {  	v5 =	vld [tilespmem:s24+$0x2689];
	_ =	sdelay $0x2  }
.Ltmp6:
0x164: {  	(pc) =	sbr.rel @p0 .LBB2_14-.Ltmp6, $4  }
0x165: {  	_ = 	snop  }
0x166: {  	v4 =	vsel vm0, v4, v5  }
0x167: {  	s17 =	sadd.s32 $0x20, s17;
	[tilespmem:s0+$0x0] =	vst v4  }
0x168: {  	s23 =	sadd.s32 $0x24, s23;
	v4 =	vld [tilespmem:s17+$0xFFFFFFF0]  }
0x169: {  	_ =	sdelay $0x2  }
0x16a: {  	s0 =	sadd.s32 $0x50, s0  }
0x16b: {  	[tilespmem:s0+$0xFFFFFFE7] =	vst v4  }
0x16c: {  	v4 =	vld [tilespmem:s17+$0x0];
	_ =	sdelay $0x4  }
0x16d: {  	s2 =	sshra.s32 s2, $0x2;
	[tilespmem:s0+$0xFFFFFFF7] =	vst v4  }
0x16e: {  	v5 =	vld [tilespmem:s2+$0x2689];
	_ =	sdelay $0x2  }
0x16f: {  	v4 =	vperm.xlane v4, v3;
	_ =	sdelay $0x1  }
0x170: {  	v4 =	vsel vm0, v4, v5  }
0x171: {  	[tilespmem:s0+$0x0] =	vst v4  }
0x172: {  	_ =	swait.ge [sflag:s21], $0x1000  }
0x173: {  	[sflag:s21] =	ssyncset.done $0x0  }
0x174: {  	s23 =	simm.s32 $0x3428;
	[sflag:s21] =	ssyncadd.s32 $0xFFFFF000  }
0x175: {  	[tilespmem:s22], [sflag:$0x1] =	stream.indirect.gather [hbm4b:s5+s19], $0x20, s29, s19, $0xb8;
	[tilespmem:$0xF418] =	vst v63  }
0x176: {  	v4 =	vld [tilespmem:s23+$0xFFFFFFF0];
	_ =	sdelay $0x3  }
0x177: {  	s0 =	simm.s32 $0xA438  }
0x178: {  	[tilespmem:s0+$0x0] =	vst v4  }
0x179: {  	v4 =	vld [tilespmem:s23+$0x0];
	_ =	sdelay $0x4  }
0x17a: {  	s24 =	simm.s32 $0x0;
	[tilespmem:s0+$0x10] =	vst v4  }
0x17b: {  	v5 =	vld [tilespmem:s24+$0x2B09];
	_ =	sdelay $0x2  }
0x17c: {  	v4 =	vperm.xlane v4, v3;
	_ =	sdelay $0x1  }
0x17d: {  	v4 =	vsel vm0, v4, v5  }
0x17e: {  	s17 =	simm.s32 $0x3448;
	[tilespmem:s0+$0x19] =	vst v4  }
0x17f: {  	s2 =	simm.s32 $0x24;
	s23 =	simm.s32 $0x48;
	v4 =	vld [tilespmem:s17+$0xFFFFFFF0]  }
.LBB2_16:
0x180: {  	p0 =	sne.s32 s23, $0x11DC;
	_ =	sdelay $0x2  }
0x181: {  	s0 =	sadd.s32 $0x50, s0  }
0x182: {  	[tilespmem:s0+$0x0] =	vst v4  }
0x183: {  	v4 =	vld [tilespmem:s17+$0x0];
	_ =	sdelay $0x4  }
0x184: {  	s24 =	sshra.s32 s2, $0x2;
	s2 =	smov.u32 s23;
	[tilespmem:s0+$0x10] =	vst v4;
	v4 =	vperm.xlane v4, v3  }
0x185: {  	v5 =	vld [tilespmem:s24+$0x2B09];
	_ =	sdelay $0x2  }
.Ltmp7:
0x186: {  	(pc) =	sbr.rel @p0 .LBB2_16-.Ltmp7, $4  }
0x187: {  	_ = 	snop  }
0x188: {  	v4 =	vsel vm0, v4, v5  }
0x189: {  	s17 =	sadd.s32 $0x20, s17;
	[tilespmem:s0+$0x19] =	vst v4  }
0x18a: {  	s23 =	sadd.s32 $0x24, s23;
	v4 =	vld [tilespmem:s17+$0xFFFFFFF0]  }
0x18b: {  	_ =	sdelay $0x2  }
0x18c: {  	s0 =	sadd.s32 $0x50, s0  }
0x18d: {  	[tilespmem:s0+$0x0] =	vst v4  }
0x18e: {  	v4 =	vld [tilespmem:s17+$0x0];
	_ =	sdelay $0x4  }
0x18f: {  	s2 =	sshra.s32 s2, $0x2;
	[tilespmem:s0+$0x10] =	vst v4  }
0x190: {  	v5 =	vld [tilespmem:s2+$0x2B09];
	_ =	sdelay $0x2  }
0x191: {  	v4 =	vperm.xlane v4, v3;
	_ =	sdelay $0x1  }
0x192: {  	v4 =	vsel vm0, v4, v5  }
0x193: {  	[tilespmem:s0+$0x19] =	vst v4  }
0x194: {  	_ =	swait.ge [sflag:s21], $0x1000  }
0x195: {  	[sflag:s21] =	ssyncset.done $0x0  }
0x196: {  	s23 =	simm.s32 $0x4428;
	[sflag:s21] =	ssyncadd.s32 $0xFFFFF000  }
0x197: {  	v4 =	vld [tilespmem:s23+$0xFFFFFFF0];
	_ =	sdelay $0x3  }
0x198: {  	s0 =	simm.s32 $0xCC38  }
0x199: {  	[tilespmem:s0+$0x0] =	vst v4  }
0x19a: {  	v4 =	vld [tilespmem:s23+$0x0];
	_ =	sdelay $0x4  }
0x19b: {  	s24 =	simm.s32 $0x0;
	[tilespmem:s0+$0x10] =	vst v4  }
0x19c: {  	v5 =	vld [tilespmem:s24+$0x2F89];
	_ =	sdelay $0x2  }
0x19d: {  	v4 =	vperm.xlane v4, v3;
	_ =	sdelay $0x1  }
0x19e: {  	v4 =	vsel vm0, v4, v5  }
0x19f: {  	s17 =	simm.s32 $0x4448;
	[tilespmem:s0+$0x19] =	vst v4  }
0x1a0: {  	s2 =	simm.s32 $0x24;
	s23 =	simm.s32 $0x48;
	v4 =	vld [tilespmem:s17+$0xFFFFFFF0]  }
.LBB2_18:
0x1a1: {  	p0 =	sne.s32 s23, $0x11DC;
	_ =	sdelay $0x2  }
0x1a2: {  	s0 =	sadd.s32 $0x50, s0  }
0x1a3: {  	[tilespmem:s0+$0x0] =	vst v4  }
0x1a4: {  	v4 =	vld [tilespmem:s17+$0x0];
	_ =	sdelay $0x4  }
0x1a5: {  	s24 =	sshra.s32 s2, $0x2;
	s2 =	smov.u32 s23;
	[tilespmem:s0+$0x10] =	vst v4;
	v4 =	vperm.xlane v4, v3  }
0x1a6: {  	v5 =	vld [tilespmem:s24+$0x2F89];
	_ =	sdelay $0x2  }
.Ltmp8:
0x1a7: {  	(pc) =	sbr.rel @p0 .LBB2_18-.Ltmp8, $4  }
0x1a8: {  	_ = 	snop  }
0x1a9: {  	v4 =	vsel vm0, v4, v5  }
0x1aa: {  	s17 =	sadd.s32 $0x20, s17;
	[tilespmem:s0+$0x19] =	vst v4  }
0x1ab: {  	s23 =	sadd.s32 $0x24, s23;
	v4 =	vld [tilespmem:s17+$0xFFFFFFF0]  }
0x1ac: {  	_ =	sdelay $0x2  }
0x1ad: {  	s0 =	sadd.s32 $0x50, s0  }
0x1ae: {  	[tilespmem:s0+$0x0] =	vst v4  }
0x1af: {  	v4 =	vld [tilespmem:s17+$0x0];
	_ =	sdelay $0x4  }
0x1b0: {  	s2 =	sshra.s32 s2, $0x2;
	[tilespmem:s0+$0x10] =	vst v4  }
0x1b1: {  	v5 =	vld [tilespmem:s2+$0x2F89];
	_ =	sdelay $0x2  }
0x1b2: {  	v4 =	vperm.xlane v4, v3  }
0x1b3: {  	s1 =	sadd.s32 $0x1, s1  }
0x1b4: {  	p0 =	sne.s32 s1, s12;
	v4 =	vsel vm0, v4, v5  }
.Ltmp9:
0x1b5: {  	[tilespmem:s0+$0x19] =	vst v4;
	(pc) =	sbr.rel @p0 .LBB2_1-.Ltmp9, $4  }
0x1b6: {  	[hbm4b:s11+s3] =	stream.linear.scatter [tilespmem:s30], [sflag:$0x2], $0xA000, $0x38;
	[tilespmem:$0xF418] =	vst v63  }
0x1b7: {  	_ =	swait.ge [sflag:s31], $0xA000  }
0x1b8: {  	[sflag:s31] =	ssyncset.done $0x0  }
0x1b9: {  	[sflag:s31] =	ssyncadd.s32 $0xFFFF6000  }
0x1ba: {  	_ =	sfence.sel $0x180000  }
0x1bb: {  	[bflag:$0x0] =	sbarrier.arrive $0xFFFF  }
0x1bc: {  	_ =	strace $0x90000047  }
0x1bd: {  	s0 =	stileid.u32;
	[bflag:$0x2] =	sbarrier.arrive $0xFFFF  }
0x1be: {  	p0 =	sne.s32 s0, $0x0;
	s0 =	rddreg [dreg:$0x5]  }
0x1bf: {  	s0 =	sadd.s32 @!p0 $0x100000, s0  }
0x1c0: {  	[sflag:s0] =	ssyncadd.tile.s32 @!p0 $0x1;
	_ =	shalt  }
.Lfunc_end2:
_tile_overlayer_lowered:
.L_overlay_start_2:
0x1c1: {  	(tag) =	ssettag $0x2  }
0x1c2: {  	s0 =	rddreg [dreg:$0x0];
	s2 =	stileid.u32  }
0x1c3: {  	s1 =	rddreg [dreg:$0x1];
	p0 =	sne.s32 s2, $0x0  }
0x1c4: {  	s3 =	rddreg [dreg:$0x2];
	[bflag:$0x3] =	sbarrier.arrive $0xFFFF;
	s2 =	simm.s32 @!p0 $0x1C03  }
0x1c5: {  	[timem:s3], [sflag:s2] =	dma.local @!p0 [hbm:s0], s1  }
0x1c6: {  	s0 =	simm.s32 @!p0 $0x3  }
0x1c7: {  	_ =	swait.ge @!p0 [sflag:s0], s1  }
0x1c8: {  	s1 =	ssub.s32 @!p0 $0x0, s1;
	[sflag:s0] =	ssyncset.done @!p0 $0x0  }
0x1c9: {  	[sflag:s0] =	ssyncadd.s32 @!p0 s1  }
0x1ca: {  	[bflag:$0x3] =	sbarrier.arrive $0xFFFF  }
0x1cb: {  	_ =	shalt  }

</sc_bundles>
